<compile_context>
chip_gen: v7x
topology: tpu7x:2x2x1
jax: 0.10.2.dev20260603
libtpu: 0.0.44.dev20260713+nightly
codegen_flags: <defaults>
</compile_context>

<pallas_src>
import functools

import jax
import jax.numpy as jnp
from jax import lax
from jax.experimental import pallas as pl
from jax.experimental.pallas import tpu as pltpu
from jax.experimental.pallas import tpu_sc as plsc

B, NH, V, D, HID = 4096, 20, 100000, 64, 128
N = B * NH
F = NH * D

NC, NS = 2, 16
NW = NC * NS
ROWS_W = N // NW
CH = 128
NCH = ROWS_W // CH

BV = 1024


def _gather_feat(idx_flat, table):
    mesh = plsc.VectorSubcoreMesh(core_axis_name="c", subcore_axis_name="s")

    @functools.partial(
        pl.kernel,
        mesh=mesh,
        out_type=jax.ShapeDtypeStruct((N, D), jnp.float32),
        scratch_types=[
            pltpu.VMEM((ROWS_W,), jnp.int32),
            pltpu.VMEM((CH, D), jnp.float32),
            pltpu.VMEM((CH, D), jnp.float32),
            pltpu.SemaphoreType.DMA,
            pltpu.SemaphoreType.DMA,
        ],
        compiler_params=pltpu.CompilerParams(use_tc_tiling_on_sc=False),
    )
    def gather_kernel(idx_hbm, table_hbm, out_hbm, idx_v, rows0, rows1, g0, g1):
        wid = lax.axis_index("s") * NC + lax.axis_index("c")
        base = wid * ROWS_W
        pltpu.sync_copy(idx_hbm.at[pl.ds(base, ROWS_W)], idx_v)
        rows = (rows0, rows1)
        gsem = (g0, g1)
        pend = [None, None]
        pend[0] = pltpu.async_copy(
            table_hbm.at[idx_v.at[pl.ds(0, CH)]], rows0, g0
        )
        for c in range(NCH):
            cur = c % 2
            nxt = (c + 1) % 2
            if c + 1 < NCH:
                pend[nxt] = pltpu.async_copy(
                    table_hbm.at[idx_v.at[pl.ds((c + 1) * CH, CH)]],
                    rows[nxt],
                    gsem[nxt],
                )
            pend[cur].wait()
            pltpu.sync_copy(rows[cur], out_hbm.at[pl.ds(base + c * CH, CH)])

    return gather_kernel(idx_flat, table)


def _proj_body(feat_ref, w1_ref, b1c_ref, w2t_ref, b2_ref, out_ref, ht_ref):
    @pl.when(pl.program_id(0) == 0)
    def _():
        ht_ref[...] = jnp.tanh(
            lax.dot_general(
                w1_ref[...],
                feat_ref[...],
                (((0,), (1,)), ((), ())),
                preferred_element_type=jnp.float32,
            )
            + b1c_ref[...]
        ).astype(jnp.bfloat16)

    acc = jnp.dot(
        w2t_ref[...].astype(jnp.bfloat16),
        ht_ref[...],
        preferred_element_type=jnp.float32,
    )
    bias = lax.dot_general(
        b2_ref[...],
        jnp.ones((1, B), jnp.float32),
        (((0,), (0,)), ((), ())),
        preferred_element_type=jnp.float32,
    )
    out_ref[...] = acc + bias


def _proj(feat, w1, b1_col, w2t, b2_row):
    grid = (pl.cdiv(V, BV),)
    return pl.pallas_call(
        _proj_body,
        grid=grid,
        in_specs=[
            pl.BlockSpec((B, F), lambda i: (0, 0)),
            pl.BlockSpec((F, HID), lambda i: (0, 0)),
            pl.BlockSpec((HID, 1), lambda i: (0, 0)),
            pl.BlockSpec((BV, HID), lambda i: (i, 0)),
            pl.BlockSpec((1, BV), lambda i: (0, i)),
        ],
        out_specs=pl.BlockSpec((BV, B), lambda i: (i, 0)),
        out_shape=jax.ShapeDtypeStruct((V, B), jnp.float32),
        scratch_shapes=[pltpu.VMEM((HID, B), jnp.bfloat16)],
        compiler_params=pltpu.CompilerParams(
            dimension_semantics=("arbitrary",),
            vmem_limit_bytes=64 * 1024 * 1024,
        ),
    )(feat, w1, b1_col, w2t, b2_row)


def kernel(input, emb_table, W1, b1, W2, b2):
    idx_flat = input.reshape(-1)
    table_lin = lax.optimization_barrier(
        emb_table.reshape(V // 2, 2 * D)
    ).reshape(V, D)
    feat = _gather_feat(idx_flat, table_lin).reshape(B, F)
    out_t = _proj(feat, W1, b1.reshape(HID, 1), W2.T, b2.reshape(1, V))
    return out_t.T

# --- scband reference (transcript-rebuilt; emitter-appended) ---
"""Pipeline reference for scband-fnn-lm-33371895890158 (READ-ONLY COPY).

The authoritative reference and input builder live on the scoring server;
editing this copy changes nothing except your own understanding.
"""

import jax, jax.numpy as jnp
import numpy as np

B, NH, V, D, HID = 4096, 20, 100000, 64, 128

def setup_inputs(seed: int = 0) -> dict:
    key = jax.random.key(seed)
    k0, k1, k2, k3, k4, k5 = jax.random.split(key, 6)
    inp = jax.random.randint(k0, (B, NH), 0, V, dtype=jnp.int32)
    emb_table = jax.random.normal(k1, (V, D), dtype=jnp.float32) * 0.02
    W1 = jax.random.normal(k2, (NH * D, HID), dtype=jnp.float32) * (1.0 / np.sqrt(NH * D))
    b1 = jnp.zeros((HID,), dtype=jnp.float32)
    W2 = jax.random.normal(k3, (HID, V), dtype=jnp.float32) * (1.0 / np.sqrt(HID))
    b2 = jnp.zeros((V,), dtype=jnp.float32)
    return {"input": inp, "emb_table": emb_table, "W1": W1, "b1": b1, "W2": W2, "b2": b2}

def reference(input, emb_table, W1, b1, W2, b2):
    # embedding lookup: gather rows of the table
    emb = jnp.take(emb_table, input, axis=0)            # [B, NH, D]
    feat = emb.reshape(emb.shape[0], -1)                 # [B, NH*D]
    h = jnp.tanh(feat @ W1 + b1)                         # [B, HID]
    # dropout p=0.0 -> identity (eval-equivalent)
    out = h @ W2 + b2                                    # [B, V]
    return out

if __name__ == "__main__":
    import jax
    _d = setup_inputs()
    print(jax.jit(kernel)(*tuple(_d.values())))

</pallas_src>

<mosaic_0001>
#map = affine_map<(d0, d1) -> (0)>
#map1 = affine_map<(d0, d1) -> (0, 0)>
module attributes {stable_mosaic.version = 14 : i64} {
  func.func @gather_kernel(%arg0: i32, %arg1: i32, %arg2: memref<81920xi32, #tpu.memory_space<hbm>>, %arg3: memref<100000x64xf32, #tpu.memory_space<hbm>>, %arg4: memref<81920x64xf32, #tpu.memory_space<hbm>>, %arg5: memref<2560xi32, #tpu.memory_space<vmem>>, %arg6: memref<128x64xf32, #tpu.memory_space<vmem>>, %arg7: memref<128x64xf32, #tpu.memory_space<vmem>>, %arg8: memref<!tpu.dma_semaphore, #tpu.memory_space<semaphore_mem>>, %arg9: memref<!tpu.dma_semaphore, #tpu.memory_space<semaphore_mem>>) attributes {dimension_semantics = [#tpu.dimension_semantics<core_parallel>, #tpu.dimension_semantics<subcore_parallel>], iteration_bounds = array<i64: 2, 16>, scalar_prefetch = 0 : i64, scratch_operands = 5 : i64, tpu.core_type = #tpu.core_type<sc_vector_subcore>, window_params = [{transform_indices = #map}, {transform_indices = #map1}, {transform_indices = #map1}]} {
    %mul3A = arith.constant 2 : i32
    %mul3A_0 = arith.muli %arg1, %mul3A : i32
    %add3A = arith.addi %mul3A_0, %arg0 : i32
    %mul3A_1 = arith.constant 2560 : i32
    %mul3A_2 = arith.muli %add3A, %mul3A_1 : i32
    "tpu.region"() ({
      %run_scoped3A = tpu.sem_alloc : memref<!tpu.dma_semaphore, #tpu.memory_space<semaphore_mem>>
      %dma_start3A_241 = tpu.memref_slice %arg2[%mul3A_2] : memref<81920xi32, #tpu.memory_space<hbm>> -> memref<2560xi32, #tpu.memory_space<hbm>>
      %dma_start3A_242 = tpu.memref_slice %arg2[%mul3A_2] : memref<81920xi32, #tpu.memory_space<hbm>> -> memref<2560xi32, #tpu.memory_space<hbm>>
      tpu.enqueue_dma source(%dma_start3A_242 : memref<2560xi32, #tpu.memory_space<hbm>>) target(%arg5 : memref<2560xi32, #tpu.memory_space<vmem>>) target_semaphore(%run_scoped3A : memref<!tpu.dma_semaphore, #tpu.memory_space<semaphore_mem>>)
      %dma_wait3A_243 = tpu.memref_slice %arg2[%mul3A_2] : memref<81920xi32, #tpu.memory_space<hbm>> -> memref<2560xi32, #tpu.memory_space<hbm>>
      %dma_wait3A_244 = tpu.memref_slice %arg2[%mul3A_2] : memref<81920xi32, #tpu.memory_space<hbm>> -> memref<2560xi32, #tpu.memory_space<hbm>>
      tpu.wait_dma2 semaphore(%run_scoped3A : memref<!tpu.dma_semaphore, #tpu.memory_space<semaphore_mem>>) src(%dma_wait3A_244 : memref<2560xi32, #tpu.memory_space<hbm>>) dst(%arg5 : memref<2560xi32, #tpu.memory_space<vmem>>)
      tpu.yield
    }) : () -> ()
    %dma_start3A = arith.constant 0 : i32
    %dma_start3A_3 = tpu.memref_slice %arg5[%dma_start3A] : memref<2560xi32, #tpu.memory_space<vmem>> -> memref<128xi32, #tpu.memory_space<vmem>>
    %dma_start3A_4 = arith.constant 0 : i32
    %dma_start3A_5 = arith.constant 0 : i32
    %dma_start3A_6 = tpu.memref_slice %arg3[%dma_start3A_4, %dma_start3A_5] : memref<100000x64xf32, #tpu.memory_space<hbm>> -> memref<100000x64xf32, #tpu.memory_space<hbm>>
    tpu.enqueue_indirect_dma source(%dma_start3A_6 : memref<100000x64xf32, #tpu.memory_space<hbm>>) target(%arg6 : memref<128x64xf32, #tpu.memory_space<vmem>>) offsets(%dma_start3A_3 : memref<128xi32, #tpu.memory_space<vmem>>) semaphore(%arg8 : memref<!tpu.dma_semaphore, #tpu.memory_space<semaphore_mem>>)
    %dma_start3A_7 = arith.constant 128 : i32
    %dma_start3A_8 = tpu.memref_slice %arg5[%dma_start3A_7] : memref<2560xi32, #tpu.memory_space<vmem>> -> memref<128xi32, #tpu.memory_space<vmem>>
    %dma_start3A_9 = arith.constant 0 : i32
    %dma_start3A_10 = arith.constant 0 : i32
    %dma_start3A_11 = tpu.memref_slice %arg3[%dma_start3A_9, %dma_start3A_10] : memref<100000x64xf32, #tpu.memory_space<hbm>> -> memref<100000x64xf32, #tpu.memory_space<hbm>>
    tpu.enqueue_indirect_dma source(%dma_start3A_11 : memref<100000x64xf32, #tpu.memory_space<hbm>>) target(%arg7 : memref<128x64xf32, #tpu.memory_space<vmem>>) offsets(%dma_start3A_8 : memref<128xi32, #tpu.memory_space<vmem>>) semaphore(%arg9 : memref<!tpu.dma_semaphore, #tpu.memory_space<semaphore_mem>>)
    %dma_wait3A = arith.constant 0 : i32
    %dma_wait3A_12 = tpu.memref_slice %arg5[%dma_wait3A] : memref<2560xi32, #tpu.memory_space<vmem>> -> memref<128xi32, #tpu.memory_space<vmem>>
    %dma_wait3A_13 = arith.constant 0 : i32
    %dma_wait3A_14 = arith.constant 0 : i32
    %dma_wait3A_15 = tpu.memref_slice %arg3[%dma_wait3A_13, %dma_wait3A_14] : memref<100000x64xf32, #tpu.memory_space<hbm>> -> memref<100000x64xf32, #tpu.memory_space<hbm>>
    tpu.wait_indirect_dma semaphore(%arg8 : memref<!tpu.dma_semaphore, #tpu.memory_space<semaphore_mem>>) src(%dma_wait3A_15 : memref<100000x64xf32, #tpu.memory_space<hbm>>) dst(%arg6 : memref<128x64xf32, #tpu.memory_space<vmem>>)
    %add3A_16 = arith.constant 0 : i32
    %add3A_17 = arith.addi %mul3A_2, %add3A_16 : i32
    "tpu.region"() ({
      %run_scoped3A = tpu.sem_alloc : memref<!tpu.dma_semaphore, #tpu.memory_space<semaphore_mem>>
      %dma_start3A_241 = arith.constant 0 : i32
      %dma_start3A_242 = tpu.memref_slice %arg4[%add3A_17, %dma_start3A_241] : memref<81920x64xf32, #tpu.memory_space<hbm>> -> memref<128x64xf32, #tpu.memory_space<hbm>>
      %dma_start3A_243 = arith.constant 0 : i32
      %dma_start3A_244 = tpu.memref_slice %arg4[%add3A_17, %dma_start3A_243] : memref<81920x64xf32, #tpu.memory_space<hbm>> -> memref<128x64xf32, #tpu.memory_space<hbm>>
      tpu.enqueue_dma source(%arg6 : memref<128x64xf32, #tpu.memory_space<vmem>>) target(%dma_start3A_244 : memref<128x64xf32, #tpu.memory_space<hbm>>) target_semaphore(%run_scoped3A : memref<!tpu.dma_semaphore, #tpu.memory_space<semaphore_mem>>)
      %dma_wait3A_245 = arith.constant 0 : i32
      %dma_wait3A_246 = tpu.memref_slice %arg4[%add3A_17, %dma_wait3A_245] : memref<81920x64xf32, #tpu.memory_space<hbm>> -> memref<128x64xf32, #tpu.memory_space<hbm>>
      %dma_wait3A_247 = arith.constant 0 : i32
      %dma_wait3A_248 = tpu.memref_slice %arg4[%add3A_17, %dma_wait3A_247] : memref<81920x64xf32, #tpu.memory_space<hbm>> -> memref<128x64xf32, #tpu.memory_space<hbm>>
      tpu.wait_dma2 semaphore(%run_scoped3A : memref<!tpu.dma_semaphore, #tpu.memory_space<semaphore_mem>>) src(%arg6 : memref<128x64xf32, #tpu.memory_space<vmem>>) dst(%dma_wait3A_248 : memref<128x64xf32, #tpu.memory_space<hbm>>)
      tpu.yield
    }) : () -> ()
    %dma_start3A_18 = arith.constant 256 : i32
    %dma_start3A_19 = tpu.memref_slice %arg5[%dma_start3A_18] : memref<2560xi32, #tpu.memory_space<vmem>> -> memref<128xi32, #tpu.memory_space<vmem>>
    %dma_start3A_20 = arith.constant 0 : i32
    %dma_start3A_21 = arith.constant 0 : i32
    %dma_start3A_22 = tpu.memref_slice %arg3[%dma_start3A_20, %dma_start3A_21] : memref<100000x64xf32, #tpu.memory_space<hbm>> -> memref<100000x64xf32, #tpu.memory_space<hbm>>
    tpu.enqueue_indirect_dma source(%dma_start3A_22 : memref<100000x64xf32, #tpu.memory_space<hbm>>) target(%arg6 : memref<128x64xf32, #tpu.memory_space<vmem>>) offsets(%dma_start3A_19 : memref<128xi32, #tpu.memory_space<vmem>>) semaphore(%arg8 : memref<!tpu.dma_semaphore, #tpu.memory_space<semaphore_mem>>)
    %dma_wait3A_23 = arith.constant 128 : i32
    %dma_wait3A_24 = tpu.memref_slice %arg5[%dma_wait3A_23] : memref<2560xi32, #tpu.memory_space<vmem>> -> memref<128xi32, #tpu.memory_space<vmem>>
    %dma_wait3A_25 = arith.constant 0 : i32
    %dma_wait3A_26 = arith.constant 0 : i32
    %dma_wait3A_27 = tpu.memref_slice %arg3[%dma_wait3A_25, %dma_wait3A_26] : memref<100000x64xf32, #tpu.memory_space<hbm>> -> memref<100000x64xf32, #tpu.memory_space<hbm>>
    tpu.wait_indirect_dma semaphore(%arg9 : memref<!tpu.dma_semaphore, #tpu.memory_space<semaphore_mem>>) src(%dma_wait3A_27 : memref<100000x64xf32, #tpu.memory_space<hbm>>) dst(%arg7 : memref<128x64xf32, #tpu.memory_space<vmem>>)
    %add3A_28 = arith.constant 128 : i32
    %add3A_29 = arith.addi %mul3A_2, %add3A_28 : i32
    "tpu.region"() ({
      %run_scoped3A = tpu.sem_alloc : memref<!tpu.dma_semaphore, #tpu.memory_space<semaphore_mem>>
      %dma_start3A_241 = arith.constant 0 : i32
      %dma_start3A_242 = tpu.memref_slice %arg4[%add3A_29, %dma_start3A_241] : memref<81920x64xf32, #tpu.memory_space<hbm>> -> memref<128x64xf32, #tpu.memory_space<hbm>>
      %dma_start3A_243 = arith.constant 0 : i32
      %dma_start3A_244 = tpu.memref_slice %arg4[%add3A_29, %dma_start3A_243] : memref<81920x64xf32, #tpu.memory_space<hbm>> -> memref<128x64xf32, #tpu.memory_space<hbm>>
      tpu.enqueue_dma source(%arg7 : memref<128x64xf32, #tpu.memory_space<vmem>>) target(%dma_start3A_244 : memref<128x64xf32, #tpu.memory_space<hbm>>) target_semaphore(%run_scoped3A : memref<!tpu.dma_semaphore, #tpu.memory_space<semaphore_mem>>)
      %dma_wait3A_245 = arith.constant 0 : i32
      %dma_wait3A_246 = tpu.memref_slice %arg4[%add3A_29, %dma_wait3A_245] : memref<81920x64xf32, #tpu.memory_space<hbm>> -> memref<128x64xf32, #tpu.memory_space<hbm>>
      %dma_wait3A_247 = arith.constant 0 : i32
      %dma_wait3A_248 = tpu.memref_slice %arg4[%add3A_29, %dma_wait3A_247] : memref<81920x64xf32, #tpu.memory_space<hbm>> -> memref<128x64xf32, #tpu.memory_space<hbm>>
      tpu.wait_dma2 semaphore(%run_scoped3A : memref<!tpu.dma_semaphore, #tpu.memory_space<semaphore_mem>>) src(%arg7 : memref<128x64xf32, #tpu.memory_space<vmem>>) dst(%dma_wait3A_248 : memref<128x64xf32, #tpu.memory_space<hbm>>)
      tpu.yield
    }) : () -> ()
    %dma_start3A_30 = arith.constant 384 : i32
    %dma_start3A_31 = tpu.memref_slice %arg5[%dma_start3A_30] : memref<2560xi32, #tpu.memory_space<vmem>> -> memref<128xi32, #tpu.memory_space<vmem>>
    %dma_start3A_32 = arith.constant 0 : i32
    %dma_start3A_33 = arith.constant 0 : i32
    %dma_start3A_34 = tpu.memref_slice %arg3[%dma_start3A_32, %dma_start3A_33] : memref<100000x64xf32, #tpu.memory_space<hbm>> -> memref<100000x64xf32, #tpu.memory_space<hbm>>
    tpu.enqueue_indirect_dma source(%dma_start3A_34 : memref<100000x64xf32, #tpu.memory_space<hbm>>) target(%arg7 : memref<128x64xf32, #tpu.memory_space<vmem>>) offsets(%dma_start3A_31 : memref<128xi32, #tpu.memory_space<vmem>>) semaphore(%arg9 : memref<!tpu.dma_semaphore, #tpu.memory_space<semaphore_mem>>)
    %dma_wait3A_35 = arith.constant 256 : i32
    %dma_wait3A_36 = tpu.memref_slice %arg5[%dma_wait3A_35] : memref<2560xi32, #tpu.memory_space<vmem>> -> memref<128xi32, #tpu.memory_space<vmem>>
    %dma_wait3A_37 = arith.constant 0 : i32
    %dma_wait3A_38 = arith.constant 0 : i32
    %dma_wait3A_39 = tpu.memref_slice %arg3[%dma_wait3A_37, %dma_wait3A_38] : memref<100000x64xf32, #tpu.memory_space<hbm>> -> memref<100000x64xf32, #tpu.memory_space<hbm>>
    tpu.wait_indirect_dma semaphore(%arg8 : memref<!tpu.dma_semaphore, #tpu.memory_space<semaphore_mem>>) src(%dma_wait3A_39 : memref<100000x64xf32, #tpu.memory_space<hbm>>) dst(%arg6 : memref<128x64xf32, #tpu.memory_space<vmem>>)
    %add3A_40 = arith.constant 256 : i32
    %add3A_41 = arith.addi %mul3A_2, %add3A_40 : i32
    "tpu.region"() ({
      %run_scoped3A = tpu.sem_alloc : memref<!tpu.dma_semaphore, #tpu.memory_space<semaphore_mem>>
      %dma_start3A_241 = arith.constant 0 : i32
      %dma_start3A_242 = tpu.memref_slice %arg4[%add3A_41, %dma_start3A_241] : memref<81920x64xf32, #tpu.memory_space<hbm>> -> memref<128x64xf32, #tpu.memory_space<hbm>>
      %dma_start3A_243 = arith.constant 0 : i32
      %dma_start3A_244 = tpu.memref_slice %arg4[%add3A_41, %dma_start3A_243] : memref<81920x64xf32, #tpu.memory_space<hbm>> -> memref<128x64xf32, #tpu.memory_space<hbm>>
      tpu.enqueue_dma source(%arg6 : memref<128x64xf32, #tpu.memory_space<vmem>>) target(%dma_start3A_244 : memref<128x64xf32, #tpu.memory_space<hbm>>) target_semaphore(%run_scoped3A : memref<!tpu.dma_semaphore, #tpu.memory_space<semaphore_mem>>)
      %dma_wait3A_245 = arith.constant 0 : i32
      %dma_wait3A_246 = tpu.memref_slice %arg4[%add3A_41, %dma_wait3A_245] : memref<81920x64xf32, #tpu.memory_space<hbm>> -> memref<128x64xf32, #tpu.memory_space<hbm>>
      %dma_wait3A_247 = arith.constant 0 : i32
      %dma_wait3A_248 = tpu.memref_slice %arg4[%add3A_41, %dma_wait3A_247] : memref<81920x64xf32, #tpu.memory_space<hbm>> -> memref<128x64xf32, #tpu.memory_space<hbm>>
      tpu.wait_dma2 semaphore(%run_scoped3A : memref<!tpu.dma_semaphore, #tpu.memory_space<semaphore_mem>>) src(%arg6 : memref<128x64xf32, #tpu.memory_space<vmem>>) dst(%dma_wait3A_248 : memref<128x64xf32, #tpu.memory_space<hbm>>)
      tpu.yield
    }) : () -> ()
    %dma_start3A_42 = arith.constant 512 : i32
    %dma_start3A_43 = tpu.memref_slice %arg5[%dma_start3A_42] : memref<2560xi32, #tpu.memory_space<vmem>> -> memref<128xi32, #tpu.memory_space<vmem>>
    %dma_start3A_44 = arith.constant 0 : i32
    %dma_start3A_45 = arith.constant 0 : i32
    %dma_start3A_46 = tpu.memref_slice %arg3[%dma_start3A_44, %dma_start3A_45] : memref<100000x64xf32, #tpu.memory_space<hbm>> -> memref<100000x64xf32, #tpu.memory_space<hbm>>
    tpu.enqueue_indirect_dma source(%dma_start3A_46 : memref<100000x64xf32, #tpu.memory_space<hbm>>) target(%arg6 : memref<128x64xf32, #tpu.memory_space<vmem>>) offsets(%dma_start3A_43 : memref<128xi32, #tpu.memory_space<vmem>>) semaphore(%arg8 : memref<!tpu.dma_semaphore, #tpu.memory_space<semaphore_mem>>)
    %dma_wait3A_47 = arith.constant 384 : i32
    %dma_wait3A_48 = tpu.memref_slice %arg5[%dma_wait3A_47] : memref<2560xi32, #tpu.memory_space<vmem>> -> memref<128xi32, #tpu.memory_space<vmem>>
    %dma_wait3A_49 = arith.constant 0 : i32
    %dma_wait3A_50 = arith.constant 0 : i32
    %dma_wait3A_51 = tpu.memref_slice %arg3[%dma_wait3A_49, %dma_wait3A_50] : memref<100000x64xf32, #tpu.memory_space<hbm>> -> memref<100000x64xf32, #tpu.memory_space<hbm>>
    tpu.wait_indirect_dma semaphore(%arg9 : memref<!tpu.dma_semaphore, #tpu.memory_space<semaphore_mem>>) src(%dma_wait3A_51 : memref<100000x64xf32, #tpu.memory_space<hbm>>) dst(%arg7 : memref<128x64xf32, #tpu.memory_space<vmem>>)
    %add3A_52 = arith.constant 384 : i32
    %add3A_53 = arith.addi %mul3A_2, %add3A_52 : i32
    "tpu.region"() ({
      %run_scoped3A = tpu.sem_alloc : memref<!tpu.dma_semaphore, #tpu.memory_space<semaphore_mem>>
      %dma_start3A_241 = arith.constant 0 : i32
      %dma_start3A_242 = tpu.memref_slice %arg4[%add3A_53, %dma_start3A_241] : memref<81920x64xf32, #tpu.memory_space<hbm>> -> memref<128x64xf32, #tpu.memory_space<hbm>>
      %dma_start3A_243 = arith.constant 0 : i32
      %dma_start3A_244 = tpu.memref_slice %arg4[%add3A_53, %dma_start3A_243] : memref<81920x64xf32, #tpu.memory_space<hbm>> -> memref<128x64xf32, #tpu.memory_space<hbm>>
      tpu.enqueue_dma source(%arg7 : memref<128x64xf32, #tpu.memory_space<vmem>>) target(%dma_start3A_244 : memref<128x64xf32, #tpu.memory_space<hbm>>) target_semaphore(%run_scoped3A : memref<!tpu.dma_semaphore, #tpu.memory_space<semaphore_mem>>)
      %dma_wait3A_245 = arith.constant 0 : i32
      %dma_wait3A_246 = tpu.memref_slice %arg4[%add3A_53, %dma_wait3A_245] : memref<81920x64xf32, #tpu.memory_space<hbm>> -> memref<128x64xf32, #tpu.memory_space<hbm>>
      %dma_wait3A_247 = arith.constant 0 : i32
      %dma_wait3A_248 = tpu.memref_slice %arg4[%add3A_53, %dma_wait3A_247] : memref<81920x64xf32, #tpu.memory_space<hbm>> -> memref<128x64xf32, #tpu.memory_space<hbm>>
      tpu.wait_dma2 semaphore(%run_scoped3A : memref<!tpu.dma_semaphore, #tpu.memory_space<semaphore_mem>>) src(%arg7 : memref<128x64xf32, #tpu.memory_space<vmem>>) dst(%dma_wait3A_248 : memref<128x64xf32, #tpu.memory_space<hbm>>)
      tpu.yield
    }) : () -> ()
    %dma_start3A_54 = arith.constant 640 : i32
    %dma_start3A_55 = tpu.memref_slice %arg5[%dma_start3A_54] : memref<2560xi32, #tpu.memory_space<vmem>> -> memref<128xi32, #tpu.memory_space<vmem>>
    %dma_start3A_56 = arith.constant 0 : i32
    %dma_start3A_57 = arith.constant 0 : i32
    %dma_start3A_58 = tpu.memref_slice %arg3[%dma_start3A_56, %dma_start3A_57] : memref<100000x64xf32, #tpu.memory_space<hbm>> -> memref<100000x64xf32, #tpu.memory_space<hbm>>
    tpu.enqueue_indirect_dma source(%dma_start3A_58 : memref<100000x64xf32, #tpu.memory_space<hbm>>) target(%arg7 : memref<128x64xf32, #tpu.memory_space<vmem>>) offsets(%dma_start3A_55 : memref<128xi32, #tpu.memory_space<vmem>>) semaphore(%arg9 : memref<!tpu.dma_semaphore, #tpu.memory_space<semaphore_mem>>)
    %dma_wait3A_59 = arith.constant 512 : i32
    %dma_wait3A_60 = tpu.memref_slice %arg5[%dma_wait3A_59] : memref<2560xi32, #tpu.memory_space<vmem>> -> memref<128xi32, #tpu.memory_space<vmem>>
    %dma_wait3A_61 = arith.constant 0 : i32
    %dma_wait3A_62 = arith.constant 0 : i32
    %dma_wait3A_63 = tpu.memref_slice %arg3[%dma_wait3A_61, %dma_wait3A_62] : memref<100000x64xf32, #tpu.memory_space<hbm>> -> memref<100000x64xf32, #tpu.memory_space<hbm>>
    tpu.wait_indirect_dma semaphore(%arg8 : memref<!tpu.dma_semaphore, #tpu.memory_space<semaphore_mem>>) src(%dma_wait3A_63 : memref<100000x64xf32, #tpu.memory_space<hbm>>) dst(%arg6 : memref<128x64xf32, #tpu.memory_space<vmem>>)
    %add3A_64 = arith.constant 512 : i32
    %add3A_65 = arith.addi %mul3A_2, %add3A_64 : i32
    "tpu.region"() ({
      %run_scoped3A = tpu.sem_alloc : memref<!tpu.dma_semaphore, #tpu.memory_space<semaphore_mem>>
      %dma_start3A_241 = arith.constant 0 : i32
      %dma_start3A_242 = tpu.memref_slice %arg4[%add3A_65, %dma_start3A_241] : memref<81920x64xf32, #tpu.memory_space<hbm>> -> memref<128x64xf32, #tpu.memory_space<hbm>>
      %dma_start3A_243 = arith.constant 0 : i32
      %dma_start3A_244 = tpu.memref_slice %arg4[%add3A_65, %dma_start3A_243] : memref<81920x64xf32, #tpu.memory_space<hbm>> -> memref<128x64xf32, #tpu.memory_space<hbm>>
      tpu.enqueue_dma source(%arg6 : memref<128x64xf32, #tpu.memory_space<vmem>>) target(%dma_start3A_244 : memref<128x64xf32, #tpu.memory_space<hbm>>) target_semaphore(%run_scoped3A : memref<!tpu.dma_semaphore, #tpu.memory_space<semaphore_mem>>)
      %dma_wait3A_245 = arith.constant 0 : i32
      %dma_wait3A_246 = tpu.memref_slice %arg4[%add3A_65, %dma_wait3A_245] : memref<81920x64xf32, #tpu.memory_space<hbm>> -> memref<128x64xf32, #tpu.memory_space<hbm>>
      %dma_wait3A_247 = arith.constant 0 : i32
      %dma_wait3A_248 = tpu.memref_slice %arg4[%add3A_65, %dma_wait3A_247] : memref<81920x64xf32, #tpu.memory_space<hbm>> -> memref<128x64xf32, #tpu.memory_space<hbm>>
      tpu.wait_dma2 semaphore(%run_scoped3A : memref<!tpu.dma_semaphore, #tpu.memory_space<semaphore_mem>>) src(%arg6 : memref<128x64xf32, #tpu.memory_space<vmem>>) dst(%dma_wait3A_248 : memref<128x64xf32, #tpu.memory_space<hbm>>)
      tpu.yield
    }) : () -> ()
    %dma_start3A_66 = arith.constant 768 : i32
    %dma_start3A_67 = tpu.memref_slice %arg5[%dma_start3A_66] : memref<2560xi32, #tpu.memory_space<vmem>> -> memref<128xi32, #tpu.memory_space<vmem>>
    %dma_start3A_68 = arith.constant 0 : i32
    %dma_start3A_69 = arith.constant 0 : i32
    %dma_start3A_70 = tpu.memref_slice %arg3[%dma_start3A_68, %dma_start3A_69] : memref<100000x64xf32, #tpu.memory_space<hbm>> -> memref<100000x64xf32, #tpu.memory_space<hbm>>
    tpu.enqueue_indirect_dma source(%dma_start3A_70 : memref<100000x64xf32, #tpu.memory_space<hbm>>) target(%arg6 : memref<128x64xf32, #tpu.memory_space<vmem>>) offsets(%dma_start3A_67 : memref<128xi32, #tpu.memory_space<vmem>>) semaphore(%arg8 : memref<!tpu.dma_semaphore, #tpu.memory_space<semaphore_mem>>)
    %dma_wait3A_71 = arith.constant 640 : i32
    %dma_wait3A_72 = tpu.memref_slice %arg5[%dma_wait3A_71] : memref<2560xi32, #tpu.memory_space<vmem>> -> memref<128xi32, #tpu.memory_space<vmem>>
    %dma_wait3A_73 = arith.constant 0 : i32
    %dma_wait3A_74 = arith.constant 0 : i32
    %dma_wait3A_75 = tpu.memref_slice %arg3[%dma_wait3A_73, %dma_wait3A_74] : memref<100000x64xf32, #tpu.memory_space<hbm>> -> memref<100000x64xf32, #tpu.memory_space<hbm>>
    tpu.wait_indirect_dma semaphore(%arg9 : memref<!tpu.dma_semaphore, #tpu.memory_space<semaphore_mem>>) src(%dma_wait3A_75 : memref<100000x64xf32, #tpu.memory_space<hbm>>) dst(%arg7 : memref<128x64xf32, #tpu.memory_space<vmem>>)
    %add3A_76 = arith.constant 640 : i32
    %add3A_77 = arith.addi %mul3A_2, %add3A_76 : i32
    "tpu.region"() ({
      %run_scoped3A = tpu.sem_alloc : memref<!tpu.dma_semaphore, #tpu.memory_space<semaphore_mem>>
      %dma_start3A_241 = arith.constant 0 : i32
      %dma_start3A_242 = tpu.memref_slice %arg4[%add3A_77, %dma_start3A_241] : memref<81920x64xf32, #tpu.memory_space<hbm>> -> memref<128x64xf32, #tpu.memory_space<hbm>>
      %dma_start3A_243 = arith.constant 0 : i32
      %dma_start3A_244 = tpu.memref_slice %arg4[%add3A_77, %dma_start3A_243] : memref<81920x64xf32, #tpu.memory_space<hbm>> -> memref<128x64xf32, #tpu.memory_space<hbm>>
      tpu.enqueue_dma source(%arg7 : memref<128x64xf32, #tpu.memory_space<vmem>>) target(%dma_start3A_244 : memref<128x64xf32, #tpu.memory_space<hbm>>) target_semaphore(%run_scoped3A : memref<!tpu.dma_semaphore, #tpu.memory_space<semaphore_mem>>)
      %dma_wait3A_245 = arith.constant 0 : i32
      %dma_wait3A_246 = tpu.memref_slice %arg4[%add3A_77, %dma_wait3A_245] : memref<81920x64xf32, #tpu.memory_space<hbm>> -> memref<128x64xf32, #tpu.memory_space<hbm>>
      %dma_wait3A_247 = arith.constant 0 : i32
      %dma_wait3A_248 = tpu.memref_slice %arg4[%add3A_77, %dma_wait3A_247] : memref<81920x64xf32, #tpu.memory_space<hbm>> -> memref<128x64xf32, #tpu.memory_space<hbm>>
      tpu.wait_dma2 semaphore(%run_scoped3A : memref<!tpu.dma_semaphore, #tpu.memory_space<semaphore_mem>>) src(%arg7 : memref<128x64xf32, #tpu.memory_space<vmem>>) dst(%dma_wait3A_248 : memref<128x64xf32, #tpu.memory_space<hbm>>)
      tpu.yield
    }) : () -> ()
    %dma_start3A_78 = arith.constant 896 : i32
    %dma_start3A_79 = tpu.memref_slice %arg5[%dma_start3A_78] : memref<2560xi32, #tpu.memory_space<vmem>> -> memref<128xi32, #tpu.memory_space<vmem>>
    %dma_start3A_80 = arith.constant 0 : i32
    %dma_start3A_81 = arith.constant 0 : i32
    %dma_start3A_82 = tpu.memref_slice %arg3[%dma_start3A_80, %dma_start3A_81] : memref<100000x64xf32, #tpu.memory_space<hbm>> -> memref<100000x64xf32, #tpu.memory_space<hbm>>
    tpu.enqueue_indirect_dma source(%dma_start3A_82 : memref<100000x64xf32, #tpu.memory_space<hbm>>) target(%arg7 : memref<128x64xf32, #tpu.memory_space<vmem>>) offsets(%dma_start3A_79 : memref<128xi32, #tpu.memory_space<vmem>>) semaphore(%arg9 : memref<!tpu.dma_semaphore, #tpu.memory_space<semaphore_mem>>)
    %dma_wait3A_83 = arith.constant 768 : i32
    %dma_wait3A_84 = tpu.memref_slice %arg5[%dma_wait3A_83] : memref<2560xi32, #tpu.memory_space<vmem>> -> memref<128xi32, #tpu.memory_space<vmem>>
    %dma_wait3A_85 = arith.constant 0 : i32
    %dma_wait3A_86 = arith.constant 0 : i32
    %dma_wait3A_87 = tpu.memref_slice %arg3[%dma_wait3A_85, %dma_wait3A_86] : memref<100000x64xf32, #tpu.memory_space<hbm>> -> memref<100000x64xf32, #tpu.memory_space<hbm>>
    tpu.wait_indirect_dma semaphore(%arg8 : memref<!tpu.dma_semaphore, #tpu.memory_space<semaphore_mem>>) src(%dma_wait3A_87 : memref<100000x64xf32, #tpu.memory_space<hbm>>) dst(%arg6 : memref<128x64xf32, #tpu.memory_space<vmem>>)
    %add3A_88 = arith.constant 768 : i32
    %add3A_89 = arith.addi %mul3A_2, %add3A_88 : i32
    "tpu.region"() ({
      %run_scoped3A = tpu.sem_alloc : memref<!tpu.dma_semaphore, #tpu.memory_space<semaphore_mem>>
      %dma_start3A_241 = arith.constant 0 : i32
      %dma_start3A_242 = tpu.memref_slice %arg4[%add3A_89, %dma_start3A_241] : memref<81920x64xf32, #tpu.memory_space<hbm>> -> memref<128x64xf32, #tpu.memory_space<hbm>>
      %dma_start3A_243 = arith.constant 0 : i32
      %dma_start3A_244 = tpu.memref_slice %arg4[%add3A_89, %dma_start3A_243] : memref<81920x64xf32, #tpu.memory_space<hbm>> -> memref<128x64xf32, #tpu.memory_space<hbm>>
      tpu.enqueue_dma source(%arg6 : memref<128x64xf32, #tpu.memory_space<vmem>>) target(%dma_start3A_244 : memref<128x64xf32, #tpu.memory_space<hbm>>) target_semaphore(%run_scoped3A : memref<!tpu.dma_semaphore, #tpu.memory_space<semaphore_mem>>)
      %dma_wait3A_245 = arith.constant 0 : i32
      %dma_wait3A_246 = tpu.memref_slice %arg4[%add3A_89, %dma_wait3A_245] : memref<81920x64xf32, #tpu.memory_space<hbm>> -> memref<128x64xf32, #tpu.memory_space<hbm>>
      %dma_wait3A_247 = arith.constant 0 : i32
      %dma_wait3A_248 = tpu.memref_slice %arg4[%add3A_89, %dma_wait3A_247] : memref<81920x64xf32, #tpu.memory_space<hbm>> -> memref<128x64xf32, #tpu.memory_space<hbm>>
      tpu.wait_dma2 semaphore(%run_scoped3A : memref<!tpu.dma_semaphore, #tpu.memory_space<semaphore_mem>>) src(%arg6 : memref<128x64xf32, #tpu.memory_space<vmem>>) dst(%dma_wait3A_248 : memref<128x64xf32, #tpu.memory_space<hbm>>)
      tpu.yield
    }) : () -> ()
    %dma_start3A_90 = arith.constant 1024 : i32
    %dma_start3A_91 = tpu.memref_slice %arg5[%dma_start3A_90] : memref<2560xi32, #tpu.memory_space<vmem>> -> memref<128xi32, #tpu.memory_space<vmem>>
    %dma_start3A_92 = arith.constant 0 : i32
    %dma_start3A_93 = arith.constant 0 : i32
    %dma_start3A_94 = tpu.memref_slice %arg3[%dma_start3A_92, %dma_start3A_93] : memref<100000x64xf32, #tpu.memory_space<hbm>> -> memref<100000x64xf32, #tpu.memory_space<hbm>>
    tpu.enqueue_indirect_dma source(%dma_start3A_94 : memref<100000x64xf32, #tpu.memory_space<hbm>>) target(%arg6 : memref<128x64xf32, #tpu.memory_space<vmem>>) offsets(%dma_start3A_91 : memref<128xi32, #tpu.memory_space<vmem>>) semaphore(%arg8 : memref<!tpu.dma_semaphore, #tpu.memory_space<semaphore_mem>>)
    %dma_wait3A_95 = arith.constant 896 : i32
    %dma_wait3A_96 = tpu.memref_slice %arg5[%dma_wait3A_95] : memref<2560xi32, #tpu.memory_space<vmem>> -> memref<128xi32, #tpu.memory_space<vmem>>
    %dma_wait3A_97 = arith.constant 0 : i32
    %dma_wait3A_98 = arith.constant 0 : i32
    %dma_wait3A_99 = tpu.memref_slice %arg3[%dma_wait3A_97, %dma_wait3A_98] : memref<100000x64xf32, #tpu.memory_space<hbm>> -> memref<100000x64xf32, #tpu.memory_space<hbm>>
    tpu.wait_indirect_dma semaphore(%arg9 : memref<!tpu.dma_semaphore, #tpu.memory_space<semaphore_mem>>) src(%dma_wait3A_99 : memref<100000x64xf32, #tpu.memory_space<hbm>>) dst(%arg7 : memref<128x64xf32, #tpu.memory_space<vmem>>)
    %add3A_100 = arith.constant 896 : i32
    %add3A_101 = arith.addi %mul3A_2, %add3A_100 : i32
    "tpu.region"() ({
      %run_scoped3A = tpu.sem_alloc : memref<!tpu.dma_semaphore, #tpu.memory_space<semaphore_mem>>
      %dma_start3A_241 = arith.constant 0 : i32
      %dma_start3A_242 = tpu.memref_slice %arg4[%add3A_101, %dma_start3A_241] : memref<81920x64xf32, #tpu.memory_space<hbm>> -> memref<128x64xf32, #tpu.memory_space<hbm>>
      %dma_start3A_243 = arith.constant 0 : i32
      %dma_start3A_244 = tpu.memref_slice %arg4[%add3A_101, %dma_start3A_243] : memref<81920x64xf32, #tpu.memory_space<hbm>> -> memref<128x64xf32, #tpu.memory_space<hbm>>
      tpu.enqueue_dma source(%arg7 : memref<128x64xf32, #tpu.memory_space<vmem>>) target(%dma_start3A_244 : memref<128x64xf32, #tpu.memory_space<hbm>>) target_semaphore(%run_scoped3A : memref<!tpu.dma_semaphore, #tpu.memory_space<semaphore_mem>>)
      %dma_wait3A_245 = arith.constant 0 : i32
      %dma_wait3A_246 = tpu.memref_slice %arg4[%add3A_101, %dma_wait3A_245] : memref<81920x64xf32, #tpu.memory_space<hbm>> -> memref<128x64xf32, #tpu.memory_space<hbm>>
      %dma_wait3A_247 = arith.constant 0 : i32
      %dma_wait3A_248 = tpu.memref_slice %arg4[%add3A_101, %dma_wait3A_247] : memref<81920x64xf32, #tpu.memory_space<hbm>> -> memref<128x64xf32, #tpu.memory_space<hbm>>
      tpu.wait_dma2 semaphore(%run_scoped3A : memref<!tpu.dma_semaphore, #tpu.memory_space<semaphore_mem>>) src(%arg7 : memref<128x64xf32, #tpu.memory_space<vmem>>) dst(%dma_wait3A_248 : memref<128x64xf32, #tpu.memory_space<hbm>>)
      tpu.yield
    }) : () -> ()
    %dma_start3A_102 = arith.constant 1152 : i32
    %dma_start3A_103 = tpu.memref_slice %arg5[%dma_start3A_102] : memref<2560xi32, #tpu.memory_space<vmem>> -> memref<128xi32, #tpu.memory_space<vmem>>
    %dma_start3A_104 = arith.constant 0 : i32
    %dma_start3A_105 = arith.constant 0 : i32
    %dma_start3A_106 = tpu.memref_slice %arg3[%dma_start3A_104, %dma_start3A_105] : memref<100000x64xf32, #tpu.memory_space<hbm>> -> memref<100000x64xf32, #tpu.memory_space<hbm>>
    tpu.enqueue_indirect_dma source(%dma_start3A_106 : memref<100000x64xf32, #tpu.memory_space<hbm>>) target(%arg7 : memref<128x64xf32, #tpu.memory_space<vmem>>) offsets(%dma_start3A_103 : memref<128xi32, #tpu.memory_space<vmem>>) semaphore(%arg9 : memref<!tpu.dma_semaphore, #tpu.memory_space<semaphore_mem>>)
    %dma_wait3A_107 = arith.constant 1024 : i32
    %dma_wait3A_108 = tpu.memref_slice %arg5[%dma_wait3A_107] : memref<2560xi32, #tpu.memory_space<vmem>> -> memref<128xi32, #tpu.memory_space<vmem>>
    %dma_wait3A_109 = arith.constant 0 : i32
    %dma_wait3A_110 = arith.constant 0 : i32
    %dma_wait3A_111 = tpu.memref_slice %arg3[%dma_wait3A_109, %dma_wait3A_110] : memref<100000x64xf32, #tpu.memory_space<hbm>> -> memref<100000x64xf32, #tpu.memory_space<hbm>>
    tpu.wait_indirect_dma semaphore(%arg8 : memref<!tpu.dma_semaphore, #tpu.memory_space<semaphore_mem>>) src(%dma_wait3A_111 : memref<100000x64xf32, #tpu.memory_space<hbm>>) dst(%arg6 : memref<128x64xf32, #tpu.memory_space<vmem>>)
    %add3A_112 = arith.constant 1024 : i32
    %add3A_113 = arith.addi %mul3A_2, %add3A_112 : i32
    "tpu.region"() ({
      %run_scoped3A = tpu.sem_alloc : memref<!tpu.dma_semaphore, #tpu.memory_space<semaphore_mem>>
      %dma_start3A_241 = arith.constant 0 : i32
      %dma_start3A_242 = tpu.memref_slice %arg4[%add3A_113, %dma_start3A_241] : memref<81920x64xf32, #tpu.memory_space<hbm>> -> memref<128x64xf32, #tpu.memory_space<hbm>>
      %dma_start3A_243 = arith.constant 0 : i32
      %dma_start3A_244 = tpu.memref_slice %arg4[%add3A_113, %dma_start3A_243] : memref<81920x64xf32, #tpu.memory_space<hbm>> -> memref<128x64xf32, #tpu.memory_space<hbm>>
      tpu.enqueue_dma source(%arg6 : memref<128x64xf32, #tpu.memory_space<vmem>>) target(%dma_start3A_244 : memref<128x64xf32, #tpu.memory_space<hbm>>) target_semaphore(%run_scoped3A : memref<!tpu.dma_semaphore, #tpu.memory_space<semaphore_mem>>)
      %dma_wait3A_245 = arith.constant 0 : i32
      %dma_wait3A_246 = tpu.memref_slice %arg4[%add3A_113, %dma_wait3A_245] : memref<81920x64xf32, #tpu.memory_space<hbm>> -> memref<128x64xf32, #tpu.memory_space<hbm>>
      %dma_wait3A_247 = arith.constant 0 : i32
      %dma_wait3A_248 = tpu.memref_slice %arg4[%add3A_113, %dma_wait3A_247] : memref<81920x64xf32, #tpu.memory_space<hbm>> -> memref<128x64xf32, #tpu.memory_space<hbm>>
      tpu.wait_dma2 semaphore(%run_scoped3A : memref<!tpu.dma_semaphore, #tpu.memory_space<semaphore_mem>>) src(%arg6 : memref<128x64xf32, #tpu.memory_space<vmem>>) dst(%dma_wait3A_248 : memref<128x64xf32, #tpu.memory_space<hbm>>)
      tpu.yield
    }) : () -> ()
    %dma_start3A_114 = arith.constant 1280 : i32
    %dma_start3A_115 = tpu.memref_slice %arg5[%dma_start3A_114] : memref<2560xi32, #tpu.memory_space<vmem>> -> memref<128xi32, #tpu.memory_space<vmem>>
    %dma_start3A_116 = arith.constant 0 : i32
    %dma_start3A_117 = arith.constant 0 : i32
    %dma_start3A_118 = tpu.memref_slice %arg3[%dma_start3A_116, %dma_start3A_117] : memref<100000x64xf32, #tpu.memory_space<hbm>> -> memref<100000x64xf32, #tpu.memory_space<hbm>>
    tpu.enqueue_indirect_dma source(%dma_start3A_118 : memref<100000x64xf32, #tpu.memory_space<hbm>>) target(%arg6 : memref<128x64xf32, #tpu.memory_space<vmem>>) offsets(%dma_start3A_115 : memref<128xi32, #tpu.memory_space<vmem>>) semaphore(%arg8 : memref<!tpu.dma_semaphore, #tpu.memory_space<semaphore_mem>>)
    %dma_wait3A_119 = arith.constant 1152 : i32
    %dma_wait3A_120 = tpu.memref_slice %arg5[%dma_wait3A_119] : memref<2560xi32, #tpu.memory_space<vmem>> -> memref<128xi32, #tpu.memory_space<vmem>>
    %dma_wait3A_121 = arith.constant 0 : i32
    %dma_wait3A_122 = arith.constant 0 : i32
    %dma_wait3A_123 = tpu.memref_slice %arg3[%dma_wait3A_121, %dma_wait3A_122] : memref<100000x64xf32, #tpu.memory_space<hbm>> -> memref<100000x64xf32, #tpu.memory_space<hbm>>
    tpu.wait_indirect_dma semaphore(%arg9 : memref<!tpu.dma_semaphore, #tpu.memory_space<semaphore_mem>>) src(%dma_wait3A_123 : memref<100000x64xf32, #tpu.memory_space<hbm>>) dst(%arg7 : memref<128x64xf32, #tpu.memory_space<vmem>>)
    %add3A_124 = arith.constant 1152 : i32
    %add3A_125 = arith.addi %mul3A_2, %add3A_124 : i32
    "tpu.region"() ({
      %run_scoped3A = tpu.sem_alloc : memref<!tpu.dma_semaphore, #tpu.memory_space<semaphore_mem>>
      %dma_start3A_241 = arith.constant 0 : i32
      %dma_start3A_242 = tpu.memref_slice %arg4[%add3A_125, %dma_start3A_241] : memref<81920x64xf32, #tpu.memory_space<hbm>> -> memref<128x64xf32, #tpu.memory_space<hbm>>
      %dma_start3A_243 = arith.constant 0 : i32
      %dma_start3A_244 = tpu.memref_slice %arg4[%add3A_125, %dma_start3A_243] : memref<81920x64xf32, #tpu.memory_space<hbm>> -> memref<128x64xf32, #tpu.memory_space<hbm>>
      tpu.enqueue_dma source(%arg7 : memref<128x64xf32, #tpu.memory_space<vmem>>) target(%dma_start3A_244 : memref<128x64xf32, #tpu.memory_space<hbm>>) target_semaphore(%run_scoped3A : memref<!tpu.dma_semaphore, #tpu.memory_space<semaphore_mem>>)
      %dma_wait3A_245 = arith.constant 0 : i32
      %dma_wait3A_246 = tpu.memref_slice %arg4[%add3A_125, %dma_wait3A_245] : memref<81920x64xf32, #tpu.memory_space<hbm>> -> memref<128x64xf32, #tpu.memory_space<hbm>>
      %dma_wait3A_247 = arith.constant 0 : i32
      %dma_wait3A_248 = tpu.memref_slice %arg4[%add3A_125, %dma_wait3A_247] : memref<81920x64xf32, #tpu.memory_space<hbm>> -> memref<128x64xf32, #tpu.memory_space<hbm>>
      tpu.wait_dma2 semaphore(%run_scoped3A : memref<!tpu.dma_semaphore, #tpu.memory_space<semaphore_mem>>) src(%arg7 : memref<128x64xf32, #tpu.memory_space<vmem>>) dst(%dma_wait3A_248 : memref<128x64xf32, #tpu.memory_space<hbm>>)
      tpu.yield
    }) : () -> ()
    %dma_start3A_126 = arith.constant 1408 : i32
    %dma_start3A_127 = tpu.memref_slice %arg5[%dma_start3A_126] : memref<2560xi32, #tpu.memory_space<vmem>> -> memref<128xi32, #tpu.memory_space<vmem>>
    %dma_start3A_128 = arith.constant 0 : i32
    %dma_start3A_129 = arith.constant 0 : i32
    %dma_start3A_130 = tpu.memref_slice %arg3[%dma_start3A_128, %dma_start3A_129] : memref<100000x64xf32, #tpu.memory_space<hbm>> -> memref<100000x64xf32, #tpu.memory_space<hbm>>
    tpu.enqueue_indirect_dma source(%dma_start3A_130 : memref<100000x64xf32, #tpu.memory_space<hbm>>) target(%arg7 : memref<128x64xf32, #tpu.memory_space<vmem>>) offsets(%dma_start3A_127 : memref<128xi32, #tpu.memory_space<vmem>>) semaphore(%arg9 : memref<!tpu.dma_semaphore, #tpu.memory_space<semaphore_mem>>)
    %dma_wait3A_131 = arith.constant 1280 : i32
    %dma_wait3A_132 = tpu.memref_slice %arg5[%dma_wait3A_131] : memref<2560xi32, #tpu.memory_space<vmem>> -> memref<128xi32, #tpu.memory_space<vmem>>
    %dma_wait3A_133 = arith.constant 0 : i32
    %dma_wait3A_134 = arith.constant 0 : i32
    %dma_wait3A_135 = tpu.memref_slice %arg3[%dma_wait3A_133, %dma_wait3A_134] : memref<100000x64xf32, #tpu.memory_space<hbm>> -> memref<100000x64xf32, #tpu.memory_space<hbm>>
    tpu.wait_indirect_dma semaphore(%arg8 : memref<!tpu.dma_semaphore, #tpu.memory_space<semaphore_mem>>) src(%dma_wait3A_135 : memref<100000x64xf32, #tpu.memory_space<hbm>>) dst(%arg6 : memref<128x64xf32, #tpu.memory_space<vmem>>)
    %add3A_136 = arith.constant 1280 : i32
    %add3A_137 = arith.addi %mul3A_2, %add3A_136 : i32
    "tpu.region"() ({
      %run_scoped3A = tpu.sem_alloc : memref<!tpu.dma_semaphore, #tpu.memory_space<semaphore_mem>>
      %dma_start3A_241 = arith.constant 0 : i32
      %dma_start3A_242 = tpu.memref_slice %arg4[%add3A_137, %dma_start3A_241] : memref<81920x64xf32, #tpu.memory_space<hbm>> -> memref<128x64xf32, #tpu.memory_space<hbm>>
      %dma_start3A_243 = arith.constant 0 : i32
      %dma_start3A_244 = tpu.memref_slice %arg4[%add3A_137, %dma_start3A_243] : memref<81920x64xf32, #tpu.memory_space<hbm>> -> memref<128x64xf32, #tpu.memory_space<hbm>>
      tpu.enqueue_dma source(%arg6 : memref<128x64xf32, #tpu.memory_space<vmem>>) target(%dma_start3A_244 : memref<128x64xf32, #tpu.memory_space<hbm>>) target_semaphore(%run_scoped3A : memref<!tpu.dma_semaphore, #tpu.memory_space<semaphore_mem>>)
      %dma_wait3A_245 = arith.constant 0 : i32
      %dma_wait3A_246 = tpu.memref_slice %arg4[%add3A_137, %dma_wait3A_245] : memref<81920x64xf32, #tpu.memory_space<hbm>> -> memref<128x64xf32, #tpu.memory_space<hbm>>
      %dma_wait3A_247 = arith.constant 0 : i32
      %dma_wait3A_248 = tpu.memref_slice %arg4[%add3A_137, %dma_wait3A_247] : memref<81920x64xf32, #tpu.memory_space<hbm>> -> memref<128x64xf32, #tpu.memory_space<hbm>>
      tpu.wait_dma2 semaphore(%run_scoped3A : memref<!tpu.dma_semaphore, #tpu.memory_space<semaphore_mem>>) src(%arg6 : memref<128x64xf32, #tpu.memory_space<vmem>>) dst(%dma_wait3A_248 : memref<128x64xf32, #tpu.memory_space<hbm>>)
      tpu.yield
    }) : () -> ()
    %dma_start3A_138 = arith.constant 1536 : i32
    %dma_start3A_139 = tpu.memref_slice %arg5[%dma_start3A_138] : memref<2560xi32, #tpu.memory_space<vmem>> -> memref<128xi32, #tpu.memory_space<vmem>>
    %dma_start3A_140 = arith.constant 0 : i32
    %dma_start3A_141 = arith.constant 0 : i32
    %dma_start3A_142 = tpu.memref_slice %arg3[%dma_start3A_140, %dma_start3A_141] : memref<100000x64xf32, #tpu.memory_space<hbm>> -> memref<100000x64xf32, #tpu.memory_space<hbm>>
    tpu.enqueue_indirect_dma source(%dma_start3A_142 : memref<100000x64xf32, #tpu.memory_space<hbm>>) target(%arg6 : memref<128x64xf32, #tpu.memory_space<vmem>>) offsets(%dma_start3A_139 : memref<128xi32, #tpu.memory_space<vmem>>) semaphore(%arg8 : memref<!tpu.dma_semaphore, #tpu.memory_space<semaphore_mem>>)
    %dma_wait3A_143 = arith.constant 1408 : i32
    %dma_wait3A_144 = tpu.memref_slice %arg5[%dma_wait3A_143] : memref<2560xi32, #tpu.memory_space<vmem>> -> memref<128xi32, #tpu.memory_space<vmem>>
    %dma_wait3A_145 = arith.constant 0 : i32
    %dma_wait3A_146 = arith.constant 0 : i32
    %dma_wait3A_147 = tpu.memref_slice %arg3[%dma_wait3A_145, %dma_wait3A_146] : memref<100000x64xf32, #tpu.memory_space<hbm>> -> memref<100000x64xf32, #tpu.memory_space<hbm>>
    tpu.wait_indirect_dma semaphore(%arg9 : memref<!tpu.dma_semaphore, #tpu.memory_space<semaphore_mem>>) src(%dma_wait3A_147 : memref<100000x64xf32, #tpu.memory_space<hbm>>) dst(%arg7 : memref<128x64xf32, #tpu.memory_space<vmem>>)
    %add3A_148 = arith.constant 1408 : i32
    %add3A_149 = arith.addi %mul3A_2, %add3A_148 : i32
    "tpu.region"() ({
      %run_scoped3A = tpu.sem_alloc : memref<!tpu.dma_semaphore, #tpu.memory_space<semaphore_mem>>
      %dma_start3A_241 = arith.constant 0 : i32
      %dma_start3A_242 = tpu.memref_slice %arg4[%add3A_149, %dma_start3A_241] : memref<81920x64xf32, #tpu.memory_space<hbm>> -> memref<128x64xf32, #tpu.memory_space<hbm>>
      %dma_start3A_243 = arith.constant 0 : i32
      %dma_start3A_244 = tpu.memref_slice %arg4[%add3A_149, %dma_start3A_243] : memref<81920x64xf32, #tpu.memory_space<hbm>> -> memref<128x64xf32, #tpu.memory_space<hbm>>
      tpu.enqueue_dma source(%arg7 : memref<128x64xf32, #tpu.memory_space<vmem>>) target(%dma_start3A_244 : memref<128x64xf32, #tpu.memory_space<hbm>>) target_semaphore(%run_scoped3A : memref<!tpu.dma_semaphore, #tpu.memory_space<semaphore_mem>>)
      %dma_wait3A_245 = arith.constant 0 : i32
      %dma_wait3A_246 = tpu.memref_slice %arg4[%add3A_149, %dma_wait3A_245] : memref<81920x64xf32, #tpu.memory_space<hbm>> -> memref<128x64xf32, #tpu.memory_space<hbm>>
      %dma_wait3A_247 = arith.constant 0 : i32
      %dma_wait3A_248 = tpu.memref_slice %arg4[%add3A_149, %dma_wait3A_247] : memref<81920x64xf32, #tpu.memory_space<hbm>> -> memref<128x64xf32, #tpu.memory_space<hbm>>
      tpu.wait_dma2 semaphore(%run_scoped3A : memref<!tpu.dma_semaphore, #tpu.memory_space<semaphore_mem>>) src(%arg7 : memref<128x64xf32, #tpu.memory_space<vmem>>) dst(%dma_wait3A_248 : memref<128x64xf32, #tpu.memory_space<hbm>>)
      tpu.yield
    }) : () -> ()
    %dma_start3A_150 = arith.constant 1664 : i32
    %dma_start3A_151 = tpu.memref_slice %arg5[%dma_start3A_150] : memref<2560xi32, #tpu.memory_space<vmem>> -> memref<128xi32, #tpu.memory_space<vmem>>
    %dma_start3A_152 = arith.constant 0 : i32
    %dma_start3A_153 = arith.constant 0 : i32
    %dma_start3A_154 = tpu.memref_slice %arg3[%dma_start3A_152, %dma_start3A_153] : memref<100000x64xf32, #tpu.memory_space<hbm>> -> memref<100000x64xf32, #tpu.memory_space<hbm>>
    tpu.enqueue_indirect_dma source(%dma_start3A_154 : memref<100000x64xf32, #tpu.memory_space<hbm>>) target(%arg7 : memref<128x64xf32, #tpu.memory_space<vmem>>) offsets(%dma_start3A_151 : memref<128xi32, #tpu.memory_space<vmem>>) semaphore(%arg9 : memref<!tpu.dma_semaphore, #tpu.memory_space<semaphore_mem>>)
    %dma_wait3A_155 = arith.constant 1536 : i32
    %dma_wait3A_156 = tpu.memref_slice %arg5[%dma_wait3A_155] : memref<2560xi32, #tpu.memory_space<vmem>> -> memref<128xi32, #tpu.memory_space<vmem>>
    %dma_wait3A_157 = arith.constant 0 : i32
    %dma_wait3A_158 = arith.constant 0 : i32
    %dma_wait3A_159 = tpu.memref_slice %arg3[%dma_wait3A_157, %dma_wait3A_158] : memref<100000x64xf32, #tpu.memory_space<hbm>> -> memref<100000x64xf32, #tpu.memory_space<hbm>>
    tpu.wait_indirect_dma semaphore(%arg8 : memref<!tpu.dma_semaphore, #tpu.memory_space<semaphore_mem>>) src(%dma_wait3A_159 : memref<100000x64xf32, #tpu.memory_space<hbm>>) dst(%arg6 : memref<128x64xf32, #tpu.memory_space<vmem>>)
    %add3A_160 = arith.constant 1536 : i32
    %add3A_161 = arith.addi %mul3A_2, %add3A_160 : i32
    "tpu.region"() ({
      %run_scoped3A = tpu.sem_alloc : memref<!tpu.dma_semaphore, #tpu.memory_space<semaphore_mem>>
      %dma_start3A_241 = arith.constant 0 : i32
      %dma_start3A_242 = tpu.memref_slice %arg4[%add3A_161, %dma_start3A_241] : memref<81920x64xf32, #tpu.memory_space<hbm>> -> memref<128x64xf32, #tpu.memory_space<hbm>>
      %dma_start3A_243 = arith.constant 0 : i32
      %dma_start3A_244 = tpu.memref_slice %arg4[%add3A_161, %dma_start3A_243] : memref<81920x64xf32, #tpu.memory_space<hbm>> -> memref<128x64xf32, #tpu.memory_space<hbm>>
      tpu.enqueue_dma source(%arg6 : memref<128x64xf32, #tpu.memory_space<vmem>>) target(%dma_start3A_244 : memref<128x64xf32, #tpu.memory_space<hbm>>) target_semaphore(%run_scoped3A : memref<!tpu.dma_semaphore, #tpu.memory_space<semaphore_mem>>)
      %dma_wait3A_245 = arith.constant 0 : i32
      %dma_wait3A_246 = tpu.memref_slice %arg4[%add3A_161, %dma_wait3A_245] : memref<81920x64xf32, #tpu.memory_space<hbm>> -> memref<128x64xf32, #tpu.memory_space<hbm>>
      %dma_wait3A_247 = arith.constant 0 : i32
      %dma_wait3A_248 = tpu.memref_slice %arg4[%add3A_161, %dma_wait3A_247] : memref<81920x64xf32, #tpu.memory_space<hbm>> -> memref<128x64xf32, #tpu.memory_space<hbm>>
      tpu.wait_dma2 semaphore(%run_scoped3A : memref<!tpu.dma_semaphore, #tpu.memory_space<semaphore_mem>>) src(%arg6 : memref<128x64xf32, #tpu.memory_space<vmem>>) dst(%dma_wait3A_248 : memref<128x64xf32, #tpu.memory_space<hbm>>)
      tpu.yield
    }) : () -> ()
    %dma_start3A_162 = arith.constant 1792 : i32
    %dma_start3A_163 = tpu.memref_slice %arg5[%dma_start3A_162] : memref<2560xi32, #tpu.memory_space<vmem>> -> memref<128xi32, #tpu.memory_space<vmem>>
    %dma_start3A_164 = arith.constant 0 : i32
    %dma_start3A_165 = arith.constant 0 : i32
    %dma_start3A_166 = tpu.memref_slice %arg3[%dma_start3A_164, %dma_start3A_165] : memref<100000x64xf32, #tpu.memory_space<hbm>> -> memref<100000x64xf32, #tpu.memory_space<hbm>>
    tpu.enqueue_indirect_dma source(%dma_start3A_166 : memref<100000x64xf32, #tpu.memory_space<hbm>>) target(%arg6 : memref<128x64xf32, #tpu.memory_space<vmem>>) offsets(%dma_start3A_163 : memref<128xi32, #tpu.memory_space<vmem>>) semaphore(%arg8 : memref<!tpu.dma_semaphore, #tpu.memory_space<semaphore_mem>>)
    %dma_wait3A_167 = arith.constant 1664 : i32
    %dma_wait3A_168 = tpu.memref_slice %arg5[%dma_wait3A_167] : memref<2560xi32, #tpu.memory_space<vmem>> -> memref<128xi32, #tpu.memory_space<vmem>>
    %dma_wait3A_169 = arith.constant 0 : i32
    %dma_wait3A_170 = arith.constant 0 : i32
    %dma_wait3A_171 = tpu.memref_slice %arg3[%dma_wait3A_169, %dma_wait3A_170] : memref<100000x64xf32, #tpu.memory_space<hbm>> -> memref<100000x64xf32, #tpu.memory_space<hbm>>
    tpu.wait_indirect_dma semaphore(%arg9 : memref<!tpu.dma_semaphore, #tpu.memory_space<semaphore_mem>>) src(%dma_wait3A_171 : memref<100000x64xf32, #tpu.memory_space<hbm>>) dst(%arg7 : memref<128x64xf32, #tpu.memory_space<vmem>>)
    %add3A_172 = arith.constant 1664 : i32
    %add3A_173 = arith.addi %mul3A_2, %add3A_172 : i32
    "tpu.region"() ({
      %run_scoped3A = tpu.sem_alloc : memref<!tpu.dma_semaphore, #tpu.memory_space<semaphore_mem>>
      %dma_start3A_241 = arith.constant 0 : i32
      %dma_start3A_242 = tpu.memref_slice %arg4[%add3A_173, %dma_start3A_241] : memref<81920x64xf32, #tpu.memory_space<hbm>> -> memref<128x64xf32, #tpu.memory_space<hbm>>
      %dma_start3A_243 = arith.constant 0 : i32
      %dma_start3A_244 = tpu.memref_slice %arg4[%add3A_173, %dma_start3A_243] : memref<81920x64xf32, #tpu.memory_space<hbm>> -> memref<128x64xf32, #tpu.memory_space<hbm>>
      tpu.enqueue_dma source(%arg7 : memref<128x64xf32, #tpu.memory_space<vmem>>) target(%dma_start3A_244 : memref<128x64xf32, #tpu.memory_space<hbm>>) target_semaphore(%run_scoped3A : memref<!tpu.dma_semaphore, #tpu.memory_space<semaphore_mem>>)
      %dma_wait3A_245 = arith.constant 0 : i32
      %dma_wait3A_246 = tpu.memref_slice %arg4[%add3A_173, %dma_wait3A_245] : memref<81920x64xf32, #tpu.memory_space<hbm>> -> memref<128x64xf32, #tpu.memory_space<hbm>>
      %dma_wait3A_247 = arith.constant 0 : i32
      %dma_wait3A_248 = tpu.memref_slice %arg4[%add3A_173, %dma_wait3A_247] : memref<81920x64xf32, #tpu.memory_space<hbm>> -> memref<128x64xf32, #tpu.memory_space<hbm>>
      tpu.wait_dma2 semaphore(%run_scoped3A : memref<!tpu.dma_semaphore, #tpu.memory_space<semaphore_mem>>) src(%arg7 : memref<128x64xf32, #tpu.memory_space<vmem>>) dst(%dma_wait3A_248 : memref<128x64xf32, #tpu.memory_space<hbm>>)
      tpu.yield
    }) : () -> ()
    %dma_start3A_174 = arith.constant 1920 : i32
    %dma_start3A_175 = tpu.memref_slice %arg5[%dma_start3A_174] : memref<2560xi32, #tpu.memory_space<vmem>> -> memref<128xi32, #tpu.memory_space<vmem>>
    %dma_start3A_176 = arith.constant 0 : i32
    %dma_start3A_177 = arith.constant 0 : i32
    %dma_start3A_178 = tpu.memref_slice %arg3[%dma_start3A_176, %dma_start3A_177] : memref<100000x64xf32, #tpu.memory_space<hbm>> -> memref<100000x64xf32, #tpu.memory_space<hbm>>
    tpu.enqueue_indirect_dma source(%dma_start3A_178 : memref<100000x64xf32, #tpu.memory_space<hbm>>) target(%arg7 : memref<128x64xf32, #tpu.memory_space<vmem>>) offsets(%dma_start3A_175 : memref<128xi32, #tpu.memory_space<vmem>>) semaphore(%arg9 : memref<!tpu.dma_semaphore, #tpu.memory_space<semaphore_mem>>)
    %dma_wait3A_179 = arith.constant 1792 : i32
    %dma_wait3A_180 = tpu.memref_slice %arg5[%dma_wait3A_179] : memref<2560xi32, #tpu.memory_space<vmem>> -> memref<128xi32, #tpu.memory_space<vmem>>
    %dma_wait3A_181 = arith.constant 0 : i32
    %dma_wait3A_182 = arith.constant 0 : i32
    %dma_wait3A_183 = tpu.memref_slice %arg3[%dma_wait3A_181, %dma_wait3A_182] : memref<100000x64xf32, #tpu.memory_space<hbm>> -> memref<100000x64xf32, #tpu.memory_space<hbm>>
    tpu.wait_indirect_dma semaphore(%arg8 : memref<!tpu.dma_semaphore, #tpu.memory_space<semaphore_mem>>) src(%dma_wait3A_183 : memref<100000x64xf32, #tpu.memory_space<hbm>>) dst(%arg6 : memref<128x64xf32, #tpu.memory_space<vmem>>)
    %add3A_184 = arith.constant 1792 : i32
    %add3A_185 = arith.addi %mul3A_2, %add3A_184 : i32
    "tpu.region"() ({
      %run_scoped3A = tpu.sem_alloc : memref<!tpu.dma_semaphore, #tpu.memory_space<semaphore_mem>>
      %dma_start3A_241 = arith.constant 0 : i32
      %dma_start3A_242 = tpu.memref_slice %arg4[%add3A_185, %dma_start3A_241] : memref<81920x64xf32, #tpu.memory_space<hbm>> -> memref<128x64xf32, #tpu.memory_space<hbm>>
      %dma_start3A_243 = arith.constant 0 : i32
      %dma_start3A_244 = tpu.memref_slice %arg4[%add3A_185, %dma_start3A_243] : memref<81920x64xf32, #tpu.memory_space<hbm>> -> memref<128x64xf32, #tpu.memory_space<hbm>>
      tpu.enqueue_dma source(%arg6 : memref<128x64xf32, #tpu.memory_space<vmem>>) target(%dma_start3A_244 : memref<128x64xf32, #tpu.memory_space<hbm>>) target_semaphore(%run_scoped3A : memref<!tpu.dma_semaphore, #tpu.memory_space<semaphore_mem>>)
      %dma_wait3A_245 = arith.constant 0 : i32
      %dma_wait3A_246 = tpu.memref_slice %arg4[%add3A_185, %dma_wait3A_245] : memref<81920x64xf32, #tpu.memory_space<hbm>> -> memref<128x64xf32, #tpu.memory_space<hbm>>
      %dma_wait3A_247 = arith.constant 0 : i32
      %dma_wait3A_248 = tpu.memref_slice %arg4[%add3A_185, %dma_wait3A_247] : memref<81920x64xf32, #tpu.memory_space<hbm>> -> memref<128x64xf32, #tpu.memory_space<hbm>>
      tpu.wait_dma2 semaphore(%run_scoped3A : memref<!tpu.dma_semaphore, #tpu.memory_space<semaphore_mem>>) src(%arg6 : memref<128x64xf32, #tpu.memory_space<vmem>>) dst(%dma_wait3A_248 : memref<128x64xf32, #tpu.memory_space<hbm>>)
      tpu.yield
    }) : () -> ()
    %dma_start3A_186 = arith.constant 2048 : i32
    %dma_start3A_187 = tpu.memref_slice %arg5[%dma_start3A_186] : memref<2560xi32, #tpu.memory_space<vmem>> -> memref<128xi32, #tpu.memory_space<vmem>>
    %dma_start3A_188 = arith.constant 0 : i32
    %dma_start3A_189 = arith.constant 0 : i32
    %dma_start3A_190 = tpu.memref_slice %arg3[%dma_start3A_188, %dma_start3A_189] : memref<100000x64xf32, #tpu.memory_space<hbm>> -> memref<100000x64xf32, #tpu.memory_space<hbm>>
    tpu.enqueue_indirect_dma source(%dma_start3A_190 : memref<100000x64xf32, #tpu.memory_space<hbm>>) target(%arg6 : memref<128x64xf32, #tpu.memory_space<vmem>>) offsets(%dma_start3A_187 : memref<128xi32, #tpu.memory_space<vmem>>) semaphore(%arg8 : memref<!tpu.dma_semaphore, #tpu.memory_space<semaphore_mem>>)
    %dma_wait3A_191 = arith.constant 1920 : i32
    %dma_wait3A_192 = tpu.memref_slice %arg5[%dma_wait3A_191] : memref<2560xi32, #tpu.memory_space<vmem>> -> memref<128xi32, #tpu.memory_space<vmem>>
    %dma_wait3A_193 = arith.constant 0 : i32
    %dma_wait3A_194 = arith.constant 0 : i32
    %dma_wait3A_195 = tpu.memref_slice %arg3[%dma_wait3A_193, %dma_wait3A_194] : memref<100000x64xf32, #tpu.memory_space<hbm>> -> memref<100000x64xf32, #tpu.memory_space<hbm>>
    tpu.wait_indirect_dma semaphore(%arg9 : memref<!tpu.dma_semaphore, #tpu.memory_space<semaphore_mem>>) src(%dma_wait3A_195 : memref<100000x64xf32, #tpu.memory_space<hbm>>) dst(%arg7 : memref<128x64xf32, #tpu.memory_space<vmem>>)
    %add3A_196 = arith.constant 1920 : i32
    %add3A_197 = arith.addi %mul3A_2, %add3A_196 : i32
    "tpu.region"() ({
      %run_scoped3A = tpu.sem_alloc : memref<!tpu.dma_semaphore, #tpu.memory_space<semaphore_mem>>
      %dma_start3A_241 = arith.constant 0 : i32
      %dma_start3A_242 = tpu.memref_slice %arg4[%add3A_197, %dma_start3A_241] : memref<81920x64xf32, #tpu.memory_space<hbm>> -> memref<128x64xf32, #tpu.memory_space<hbm>>
      %dma_start3A_243 = arith.constant 0 : i32
      %dma_start3A_244 = tpu.memref_slice %arg4[%add3A_197, %dma_start3A_243] : memref<81920x64xf32, #tpu.memory_space<hbm>> -> memref<128x64xf32, #tpu.memory_space<hbm>>
      tpu.enqueue_dma source(%arg7 : memref<128x64xf32, #tpu.memory_space<vmem>>) target(%dma_start3A_244 : memref<128x64xf32, #tpu.memory_space<hbm>>) target_semaphore(%run_scoped3A : memref<!tpu.dma_semaphore, #tpu.memory_space<semaphore_mem>>)
      %dma_wait3A_245 = arith.constant 0 : i32
      %dma_wait3A_246 = tpu.memref_slice %arg4[%add3A_197, %dma_wait3A_245] : memref<81920x64xf32, #tpu.memory_space<hbm>> -> memref<128x64xf32, #tpu.memory_space<hbm>>
      %dma_wait3A_247 = arith.constant 0 : i32
      %dma_wait3A_248 = tpu.memref_slice %arg4[%add3A_197, %dma_wait3A_247] : memref<81920x64xf32, #tpu.memory_space<hbm>> -> memref<128x64xf32, #tpu.memory_space<hbm>>
      tpu.wait_dma2 semaphore(%run_scoped3A : memref<!tpu.dma_semaphore, #tpu.memory_space<semaphore_mem>>) src(%arg7 : memref<128x64xf32, #tpu.memory_space<vmem>>) dst(%dma_wait3A_248 : memref<128x64xf32, #tpu.memory_space<hbm>>)
      tpu.yield
    }) : () -> ()
    %dma_start3A_198 = arith.constant 2176 : i32
    %dma_start3A_199 = tpu.memref_slice %arg5[%dma_start3A_198] : memref<2560xi32, #tpu.memory_space<vmem>> -> memref<128xi32, #tpu.memory_space<vmem>>
    %dma_start3A_200 = arith.constant 0 : i32
    %dma_start3A_201 = arith.constant 0 : i32
    %dma_start3A_202 = tpu.memref_slice %arg3[%dma_start3A_200, %dma_start3A_201] : memref<100000x64xf32, #tpu.memory_space<hbm>> -> memref<100000x64xf32, #tpu.memory_space<hbm>>
    tpu.enqueue_indirect_dma source(%dma_start3A_202 : memref<100000x64xf32, #tpu.memory_space<hbm>>) target(%arg7 : memref<128x64xf32, #tpu.memory_space<vmem>>) offsets(%dma_start3A_199 : memref<128xi32, #tpu.memory_space<vmem>>) semaphore(%arg9 : memref<!tpu.dma_semaphore, #tpu.memory_space<semaphore_mem>>)
    %dma_wait3A_203 = arith.constant 2048 : i32
    %dma_wait3A_204 = tpu.memref_slice %arg5[%dma_wait3A_203] : memref<2560xi32, #tpu.memory_space<vmem>> -> memref<128xi32, #tpu.memory_space<vmem>>
    %dma_wait3A_205 = arith.constant 0 : i32
    %dma_wait3A_206 = arith.constant 0 : i32
    %dma_wait3A_207 = tpu.memref_slice %arg3[%dma_wait3A_205, %dma_wait3A_206] : memref<100000x64xf32, #tpu.memory_space<hbm>> -> memref<100000x64xf32, #tpu.memory_space<hbm>>
    tpu.wait_indirect_dma semaphore(%arg8 : memref<!tpu.dma_semaphore, #tpu.memory_space<semaphore_mem>>) src(%dma_wait3A_207 : memref<100000x64xf32, #tpu.memory_space<hbm>>) dst(%arg6 : memref<128x64xf32, #tpu.memory_space<vmem>>)
    %add3A_208 = arith.constant 2048 : i32
    %add3A_209 = arith.addi %mul3A_2, %add3A_208 : i32
    "tpu.region"() ({
      %run_scoped3A = tpu.sem_alloc : memref<!tpu.dma_semaphore, #tpu.memory_space<semaphore_mem>>
      %dma_start3A_241 = arith.constant 0 : i32
      %dma_start3A_242 = tpu.memref_slice %arg4[%add3A_209, %dma_start3A_241] : memref<81920x64xf32, #tpu.memory_space<hbm>> -> memref<128x64xf32, #tpu.memory_space<hbm>>
      %dma_start3A_243 = arith.constant 0 : i32
      %dma_start3A_244 = tpu.memref_slice %arg4[%add3A_209, %dma_start3A_243] : memref<81920x64xf32, #tpu.memory_space<hbm>> -> memref<128x64xf32, #tpu.memory_space<hbm>>
      tpu.enqueue_dma source(%arg6 : memref<128x64xf32, #tpu.memory_space<vmem>>) target(%dma_start3A_244 : memref<128x64xf32, #tpu.memory_space<hbm>>) target_semaphore(%run_scoped3A : memref<!tpu.dma_semaphore, #tpu.memory_space<semaphore_mem>>)
      %dma_wait3A_245 = arith.constant 0 : i32
      %dma_wait3A_246 = tpu.memref_slice %arg4[%add3A_209, %dma_wait3A_245] : memref<81920x64xf32, #tpu.memory_space<hbm>> -> memref<128x64xf32, #tpu.memory_space<hbm>>
      %dma_wait3A_247 = arith.constant 0 : i32
      %dma_wait3A_248 = tpu.memref_slice %arg4[%add3A_209, %dma_wait3A_247] : memref<81920x64xf32, #tpu.memory_space<hbm>> -> memref<128x64xf32, #tpu.memory_space<hbm>>
      tpu.wait_dma2 semaphore(%run_scoped3A : memref<!tpu.dma_semaphore, #tpu.memory_space<semaphore_mem>>) src(%arg6 : memref<128x64xf32, #tpu.memory_space<vmem>>) dst(%dma_wait3A_248 : memref<128x64xf32, #tpu.memory_space<hbm>>)
      tpu.yield
    }) : () -> ()
    %dma_start3A_210 = arith.constant 2304 : i32
    %dma_start3A_211 = tpu.memref_slice %arg5[%dma_start3A_210] : memref<2560xi32, #tpu.memory_space<vmem>> -> memref<128xi32, #tpu.memory_space<vmem>>
    %dma_start3A_212 = arith.constant 0 : i32
    %dma_start3A_213 = arith.constant 0 : i32
    %dma_start3A_214 = tpu.memref_slice %arg3[%dma_start3A_212, %dma_start3A_213] : memref<100000x64xf32, #tpu.memory_space<hbm>> -> memref<100000x64xf32, #tpu.memory_space<hbm>>
    tpu.enqueue_indirect_dma source(%dma_start3A_214 : memref<100000x64xf32, #tpu.memory_space<hbm>>) target(%arg6 : memref<128x64xf32, #tpu.memory_space<vmem>>) offsets(%dma_start3A_211 : memref<128xi32, #tpu.memory_space<vmem>>) semaphore(%arg8 : memref<!tpu.dma_semaphore, #tpu.memory_space<semaphore_mem>>)
    %dma_wait3A_215 = arith.constant 2176 : i32
    %dma_wait3A_216 = tpu.memref_slice %arg5[%dma_wait3A_215] : memref<2560xi32, #tpu.memory_space<vmem>> -> memref<128xi32, #tpu.memory_space<vmem>>
    %dma_wait3A_217 = arith.constant 0 : i32
    %dma_wait3A_218 = arith.constant 0 : i32
    %dma_wait3A_219 = tpu.memref_slice %arg3[%dma_wait3A_217, %dma_wait3A_218] : memref<100000x64xf32, #tpu.memory_space<hbm>> -> memref<100000x64xf32, #tpu.memory_space<hbm>>
    tpu.wait_indirect_dma semaphore(%arg9 : memref<!tpu.dma_semaphore, #tpu.memory_space<semaphore_mem>>) src(%dma_wait3A_219 : memref<100000x64xf32, #tpu.memory_space<hbm>>) dst(%arg7 : memref<128x64xf32, #tpu.memory_space<vmem>>)
    %add3A_220 = arith.constant 2176 : i32
    %add3A_221 = arith.addi %mul3A_2, %add3A_220 : i32
    "tpu.region"() ({
      %run_scoped3A = tpu.sem_alloc : memref<!tpu.dma_semaphore, #tpu.memory_space<semaphore_mem>>
      %dma_start3A_241 = arith.constant 0 : i32
      %dma_start3A_242 = tpu.memref_slice %arg4[%add3A_221, %dma_start3A_241] : memref<81920x64xf32, #tpu.memory_space<hbm>> -> memref<128x64xf32, #tpu.memory_space<hbm>>
      %dma_start3A_243 = arith.constant 0 : i32
      %dma_start3A_244 = tpu.memref_slice %arg4[%add3A_221, %dma_start3A_243] : memref<81920x64xf32, #tpu.memory_space<hbm>> -> memref<128x64xf32, #tpu.memory_space<hbm>>
      tpu.enqueue_dma source(%arg7 : memref<128x64xf32, #tpu.memory_space<vmem>>) target(%dma_start3A_244 : memref<128x64xf32, #tpu.memory_space<hbm>>) target_semaphore(%run_scoped3A : memref<!tpu.dma_semaphore, #tpu.memory_space<semaphore_mem>>)
      %dma_wait3A_245 = arith.constant 0 : i32
      %dma_wait3A_246 = tpu.memref_slice %arg4[%add3A_221, %dma_wait3A_245] : memref<81920x64xf32, #tpu.memory_space<hbm>> -> memref<128x64xf32, #tpu.memory_space<hbm>>
      %dma_wait3A_247 = arith.constant 0 : i32
      %dma_wait3A_248 = tpu.memref_slice %arg4[%add3A_221, %dma_wait3A_247] : memref<81920x64xf32, #tpu.memory_space<hbm>> -> memref<128x64xf32, #tpu.memory_space<hbm>>
      tpu.wait_dma2 semaphore(%run_scoped3A : memref<!tpu.dma_semaphore, #tpu.memory_space<semaphore_mem>>) src(%arg7 : memref<128x64xf32, #tpu.memory_space<vmem>>) dst(%dma_wait3A_248 : memref<128x64xf32, #tpu.memory_space<hbm>>)
      tpu.yield
    }) : () -> ()
    %dma_start3A_222 = arith.constant 2432 : i32
    %dma_start3A_223 = tpu.memref_slice %arg5[%dma_start3A_222] : memref<2560xi32, #tpu.memory_space<vmem>> -> memref<128xi32, #tpu.memory_space<vmem>>
    %dma_start3A_224 = arith.constant 0 : i32
    %dma_start3A_225 = arith.constant 0 : i32
    %dma_start3A_226 = tpu.memref_slice %arg3[%dma_start3A_224, %dma_start3A_225] : memref<100000x64xf32, #tpu.memory_space<hbm>> -> memref<100000x64xf32, #tpu.memory_space<hbm>>
    tpu.enqueue_indirect_dma source(%dma_start3A_226 : memref<100000x64xf32, #tpu.memory_space<hbm>>) target(%arg7 : memref<128x64xf32, #tpu.memory_space<vmem>>) offsets(%dma_start3A_223 : memref<128xi32, #tpu.memory_space<vmem>>) semaphore(%arg9 : memref<!tpu.dma_semaphore, #tpu.memory_space<semaphore_mem>>)
    %dma_wait3A_227 = arith.constant 2304 : i32
    %dma_wait3A_228 = tpu.memref_slice %arg5[%dma_wait3A_227] : memref<2560xi32, #tpu.memory_space<vmem>> -> memref<128xi32, #tpu.memory_space<vmem>>
    %dma_wait3A_229 = arith.constant 0 : i32
    %dma_wait3A_230 = arith.constant 0 : i32
    %dma_wait3A_231 = tpu.memref_slice %arg3[%dma_wait3A_229, %dma_wait3A_230] : memref<100000x64xf32, #tpu.memory_space<hbm>> -> memref<100000x64xf32, #tpu.memory_space<hbm>>
    tpu.wait_indirect_dma semaphore(%arg8 : memref<!tpu.dma_semaphore, #tpu.memory_space<semaphore_mem>>) src(%dma_wait3A_231 : memref<100000x64xf32, #tpu.memory_space<hbm>>) dst(%arg6 : memref<128x64xf32, #tpu.memory_space<vmem>>)
    %add3A_232 = arith.constant 2304 : i32
    %add3A_233 = arith.addi %mul3A_2, %add3A_232 : i32
    "tpu.region"() ({
      %run_scoped3A = tpu.sem_alloc : memref<!tpu.dma_semaphore, #tpu.memory_space<semaphore_mem>>
      %dma_start3A_241 = arith.constant 0 : i32
      %dma_start3A_242 = tpu.memref_slice %arg4[%add3A_233, %dma_start3A_241] : memref<81920x64xf32, #tpu.memory_space<hbm>> -> memref<128x64xf32, #tpu.memory_space<hbm>>
      %dma_start3A_243 = arith.constant 0 : i32
      %dma_start3A_244 = tpu.memref_slice %arg4[%add3A_233, %dma_start3A_243] : memref<81920x64xf32, #tpu.memory_space<hbm>> -> memref<128x64xf32, #tpu.memory_space<hbm>>
      tpu.enqueue_dma source(%arg6 : memref<128x64xf32, #tpu.memory_space<vmem>>) target(%dma_start3A_244 : memref<128x64xf32, #tpu.memory_space<hbm>>) target_semaphore(%run_scoped3A : memref<!tpu.dma_semaphore, #tpu.memory_space<semaphore_mem>>)
      %dma_wait3A_245 = arith.constant 0 : i32
      %dma_wait3A_246 = tpu.memref_slice %arg4[%add3A_233, %dma_wait3A_245] : memref<81920x64xf32, #tpu.memory_space<hbm>> -> memref<128x64xf32, #tpu.memory_space<hbm>>
      %dma_wait3A_247 = arith.constant 0 : i32
      %dma_wait3A_248 = tpu.memref_slice %arg4[%add3A_233, %dma_wait3A_247] : memref<81920x64xf32, #tpu.memory_space<hbm>> -> memref<128x64xf32, #tpu.memory_space<hbm>>
      tpu.wait_dma2 semaphore(%run_scoped3A : memref<!tpu.dma_semaphore, #tpu.memory_space<semaphore_mem>>) src(%arg6 : memref<128x64xf32, #tpu.memory_space<vmem>>) dst(%dma_wait3A_248 : memref<128x64xf32, #tpu.memory_space<hbm>>)
      tpu.yield
    }) : () -> ()
    %dma_wait3A_234 = arith.constant 2432 : i32
    %dma_wait3A_235 = tpu.memref_slice %arg5[%dma_wait3A_234] : memref<2560xi32, #tpu.memory_space<vmem>> -> memref<128xi32, #tpu.memory_space<vmem>>
    %dma_wait3A_236 = arith.constant 0 : i32
    %dma_wait3A_237 = arith.constant 0 : i32
    %dma_wait3A_238 = tpu.memref_slice %arg3[%dma_wait3A_236, %dma_wait3A_237] : memref<100000x64xf32, #tpu.memory_space<hbm>> -> memref<100000x64xf32, #tpu.memory_space<hbm>>
    tpu.wait_indirect_dma semaphore(%arg9 : memref<!tpu.dma_semaphore, #tpu.memory_space<semaphore_mem>>) src(%dma_wait3A_238 : memref<100000x64xf32, #tpu.memory_space<hbm>>) dst(%arg7 : memref<128x64xf32, #tpu.memory_space<vmem>>)
    %add3A_239 = arith.constant 2432 : i32
    %add3A_240 = arith.addi %mul3A_2, %add3A_239 : i32
    "tpu.region"() ({
      %run_scoped3A = tpu.sem_alloc : memref<!tpu.dma_semaphore, #tpu.memory_space<semaphore_mem>>
      %dma_start3A_241 = arith.constant 0 : i32
      %dma_start3A_242 = tpu.memref_slice %arg4[%add3A_240, %dma_start3A_241] : memref<81920x64xf32, #tpu.memory_space<hbm>> -> memref<128x64xf32, #tpu.memory_space<hbm>>
      %dma_start3A_243 = arith.constant 0 : i32
      %dma_start3A_244 = tpu.memref_slice %arg4[%add3A_240, %dma_start3A_243] : memref<81920x64xf32, #tpu.memory_space<hbm>> -> memref<128x64xf32, #tpu.memory_space<hbm>>
      tpu.enqueue_dma source(%arg7 : memref<128x64xf32, #tpu.memory_space<vmem>>) target(%dma_start3A_244 : memref<128x64xf32, #tpu.memory_space<hbm>>) target_semaphore(%run_scoped3A : memref<!tpu.dma_semaphore, #tpu.memory_space<semaphore_mem>>)
      %dma_wait3A_245 = arith.constant 0 : i32
      %dma_wait3A_246 = tpu.memref_slice %arg4[%add3A_240, %dma_wait3A_245] : memref<81920x64xf32, #tpu.memory_space<hbm>> -> memref<128x64xf32, #tpu.memory_space<hbm>>
      %dma_wait3A_247 = arith.constant 0 : i32
      %dma_wait3A_248 = tpu.memref_slice %arg4[%add3A_240, %dma_wait3A_247] : memref<81920x64xf32, #tpu.memory_space<hbm>> -> memref<128x64xf32, #tpu.memory_space<hbm>>
      tpu.wait_dma2 semaphore(%run_scoped3A : memref<!tpu.dma_semaphore, #tpu.memory_space<semaphore_mem>>) src(%arg7 : memref<128x64xf32, #tpu.memory_space<vmem>>) dst(%dma_wait3A_248 : memref<128x64xf32, #tpu.memory_space<hbm>>)
      tpu.yield
    }) : () -> ()
    return
  }
}

module attributes {stable_mosaic.version = 14 : i64} {
  func.func @_proj_body(%arg0: i32, %arg1: memref<4096x1280xf32, #tpu.memory_space<vmem>>, %arg2: memref<1280x128xf32, #tpu.memory_space<vmem>>, %arg3: memref<128x1xf32, #tpu.memory_space<vmem>>, %arg4: memref<1024x128xf32, #tpu.memory_space<vmem>>, %arg5: memref<1x1024xf32, #tpu.memory_space<vmem>>, %arg6: memref<1024x4096xf32, #tpu.memory_space<vmem>>, %arg7: memref<128x4096xbf16, #tpu.memory_space<vmem>>) attributes {dimension_semantics = [#tpu.dimension_semantics<arbitrary>], iteration_bounds = array<i64: 98>, scalar_prefetch = 0 : i64, scratch_operands = 1 : i64, tpu.core_type = #tpu.core_type<tc>, window_params = [{pipeline_mode = #tpu.pipeline_mode<synchronous>, transform_indices = @transform_0, window_bounds = array<i64: 4096, 1280>}, {pipeline_mode = #tpu.pipeline_mode<synchronous>, transform_indices = @transform_1, window_bounds = array<i64: 1280, 128>}, {pipeline_mode = #tpu.pipeline_mode<synchronous>, transform_indices = @transform_2, window_bounds = array<i64: 128, 1>}, {transform_indices = @transform_3, window_bounds = array<i64: 1024, 128>}, {transform_indices = @transform_4, window_bounds = array<i64: 1, 1024>}, {transform_indices = @transform_5, window_bounds = array<i64: 1024, 4096>}]} {
    %eq3A = arith.constant 0 : i32
    %eq3A_0 = arith.cmpi eq, %arg0, %eq3A : i32
    %convert_element_type3A = arith.extui %eq3A_0 : i1 to i32
    %cond3A = arith.constant 0 : i32
    %cond3A_1 = arith.cmpi ne, %convert_element_type3A, %cond3A : i32
    scf.if %cond3A_1 {
      %get3A_17 = arith.constant 0 : index
      %get3A_18 = arith.constant 0 : index
      %get3A_19 = vector.load %arg2[%get3A_17, %get3A_18] : memref<1280x128xf32, #tpu.memory_space<vmem>>, vector<1280x128xf32>
      %get3A_20 = arith.constant 0 : index
      %get3A_21 = arith.constant 0 : index
      %get3A_22 = vector.load %arg1[%get3A_20, %get3A_21] : memref<4096x1280xf32, #tpu.memory_space<vmem>>, vector<4096x1280xf32>
      %dot_general3A_23 = arith.constant dense<0.000000e+00> : vector<128x4096xf32>
      %dot_general3A_24 = tpu.matmul %get3A_19, %get3A_22, %dot_general3A_23 {dimension_numbers = #tpu.dot_dimension_numbers<[0], [1], [1], [0], [0, 1, 1, 0], [], []>, transpose_lhs_hint = false} : vector<1280x128xf32>, vector<4096x1280xf32>, vector<128x4096xf32> -> vector<128x4096xf32>
      %get3A_25 = arith.constant 0 : index
      %get3A_26 = arith.constant 0 : index
      %get3A_27 = vector.load %arg3[%get3A_25, %get3A_26] : memref<128x1xf32, #tpu.memory_space<vmem>>, vector<128x1xf32>
      %add3A_28 = vector.broadcast %get3A_27 : vector<128x1xf32> to vector<128x4096xf32>
      %add3A_29 = arith.addf %dot_general3A_24, %add3A_28 : vector<128x4096xf32>
      %tanh3A = math.tanh %add3A_29 : vector<128x4096xf32>
      %convert_element_type3A_30 = arith.truncf %tanh3A : vector<128x4096xf32> to vector<128x4096xbf16>
      %swap3A_31 = arith.constant 0 : index
      %swap3A_32 = arith.constant 0 : index
      %swap3A_33 = vector.load %arg7[%swap3A_31, %swap3A_32] : memref<128x4096xbf16, #tpu.memory_space<vmem>>, vector<128x4096xbf16>
      tpu.vector_store %arg7[%swap3A_31, %swap3A_32], %convert_element_type3A_30 {strides = array<i32>} : memref<128x4096xbf16, #tpu.memory_space<vmem>>, vector<128x4096xbf16>,
    } else {
    }
    %get3A = arith.constant 0 : index
    %get3A_2 = arith.constant 0 : index
    %get3A_3 = vector.load %arg4[%get3A, %get3A_2] : memref<1024x128xf32, #tpu.memory_space<vmem>>, vector<1024x128xf32>
    %convert_element_type3A_4 = arith.truncf %get3A_3 : vector<1024x128xf32> to vector<1024x128xbf16>
    %get3A_5 = arith.constant 0 : index
    %get3A_6 = arith.constant 0 : index
    %get3A_7 = vector.load %arg7[%get3A_5, %get3A_6] : memref<128x4096xbf16, #tpu.memory_space<vmem>>, vector<128x4096xbf16>
    %dot_general3A = arith.constant dense<0.000000e+00> : vector<1024x4096xf32>
    %dot_general3A_8 = tpu.matmul %convert_element_type3A_4, %get3A_7, %dot_general3A {dimension_numbers = #tpu.dot_dimension_numbers<[1], [0], [0], [1], [0, 0, 1, 1], [], []>, transpose_lhs_hint = false} : vector<1024x128xbf16>, vector<128x4096xbf16>, vector<1024x4096xf32> -> vector<1024x4096xf32>
    %get3A_9 = arith.constant 0 : index
    %get3A_10 = arith.constant 0 : index
    %get3A_11 = vector.load %arg5[%get3A_9, %get3A_10] : memref<1x1024xf32, #tpu.memory_space<vmem>>, vector<1x1024xf32>
    %broadcast_in_dim3A = arith.constant 1.000000e+00 : f32
    %broadcast_in_dim3A_12 = vector.broadcast %broadcast_in_dim3A : f32 to vector<1x4096xf32>
    %dot_general3A_13 = arith.constant dense<0.000000e+00> : vector<1024x4096xf32>
    %dot_general3A_14 = tpu.matmul %get3A_11, %broadcast_in_dim3A_12, %dot_general3A_13 {dimension_numbers = #tpu.dot_dimension_numbers<[0], [0], [1], [1], [0, 1, 1, 1], [], []>, transpose_lhs_hint = false} : vector<1x1024xf32>, vector<1x4096xf32>, vector<1024x4096xf32> -> vector<1024x4096xf32>
    %add3A = arith.addf %dot_general3A_8, %dot_general3A_14 : vector<1024x4096xf32>
    %swap3A = arith.constant 0 : index
    %swap3A_15 = arith.constant 0 : index
    %swap3A_16 = vector.load %arg6[%swap3A, %swap3A_15] : memref<1024x4096xf32, #tpu.memory_space<vmem>>, vector<1024x4096xf32>
    tpu.vector_store %arg6[%swap3A, %swap3A_15], %add3A {strides = array<i32>} : memref<1024x4096xf32, #tpu.memory_space<vmem>>, vector<1024x4096xf32>,
    return
  }
  func.func @transform_0(%arg0: i32) -> (i32, i32) {
    %c0_i32 = arith.constant 0 : i32
    %c0_i32_0 = arith.constant 0 : i32
    %c0_i32_1 = arith.constant 0 : i32
    return %c0_i32, %c0_i32_0 : i32, i32
  }
  func.func @transform_1(%arg0: i32) -> (i32, i32) {
    %c0_i32 = arith.constant 0 : i32
    %c0_i32_0 = arith.constant 0 : i32
    %c0_i32_1 = arith.constant 0 : i32
    return %c0_i32, %c0_i32_0 : i32, i32
  }
  func.func @transform_2(%arg0: i32) -> (i32, i32) {
    %c0_i32 = arith.constant 0 : i32
    %c0_i32_0 = arith.constant 0 : i32
    %c0_i32_1 = arith.constant 0 : i32
    return %c0_i32, %c0_i32_0 : i32, i32
  }
  func.func @transform_3(%arg0: i32) -> (i32, i32) {
    %c0_i32 = arith.constant 0 : i32
    %c0_i32_0 = arith.constant 0 : i32
    return %arg0, %c0_i32 : i32, i32
  }
  func.func @transform_4(%arg0: i32) -> (i32, i32) {
    %c0_i32 = arith.constant 0 : i32
    %c0_i32_0 = arith.constant 0 : i32
    return %c0_i32, %arg0 : i32, i32
  }
  func.func @transform_5(%arg0: i32) -> (i32, i32) {
    %c0_i32 = arith.constant 0 : i32
    %c0_i32_0 = arith.constant 0 : i32
    return %arg0, %c0_i32 : i32, i32
  }
}

</mosaic_0001>

<sc_bundles>
// kernel: kernel.4.cloned.1.call-start
scs
__scs_entry_jumppad:
0x0: {  	(pc) =	sbr.rel $0x88, $3  }
0x1: {  	(tag) =	ssettag $0x0;
	lr =	simm.s32 $0x1  }
0x2: {  	[smem:$0x3F9B] =	sst lr;
	_ =	strace $0xD0000000  }
0x3: {  	_ = 	snop  }
0x4: {  	_ = 	snop  }
0x5: {  	_ = 	snop  }
0x6: {  	_ = 	snop  }
0x7: {  	_ = 	snop  }
__scs_overlays_trampoline_lowered:
0x8: {  	[smem:$0x3FAA] =	sst s0  }
0x9: {  	[smem:$0x3FAB] =	sst s1  }
0xa: {  	[smem:$0x3FAC] =	sst s2  }
0xb: {  	[smem:$0x3FAD] =	sst s3  }
0xc: {  	[smem:$0x3FAE] =	sst s4  }
0xd: {  	[smem:$0x3FAF] =	sst s5  }
0xe: {  	[smem:$0x3FB0] =	sst s6  }
0xf: {  	[smem:$0x3FB1] =	sst s7  }
0x10: {  	[smem:$0x3FB2] =	sst s8  }
0x11: {  	[smem:$0x3FB3] =	sst s9;
	s0 =	simm.s32 @!p0 $0x0  }
0x12: {  	s1 =	sld [smem:$0x3F99];
	s0 =	simm.s32 @p0 $0x1  }
0x13: {  	[smem:$0x3FB4] =	sst s0;
	s0 =	simm.s32 @!p1 $0x0  }
0x14: {  	s2 =	sld [smem:$0x3F98];
	s0 =	simm.s32 @p1 $0x1  }
0x15: {  	[smem:$0x3FB5] =	sst s0;
	s0 =	simm.s32 @!p2 $0x0  }
0x16: {  	s3 =	sld [smem:$0x3FDB];
	s0 =	simm.s32 @p2 $0x1  }
0x17: {  	s4 =	simm.s32 $0x1BF5;
	[smem:$0x3FB7] =	sst s0  }
0x18: {  	s0 =	sld [smem:$0x3F9A];
	_ =	swait.ge [sflag:s4], $0x0  }
0x19: {  	s7 =	sld [smem:$0x3F9B]  }
0x1a: {  	s8 =	sadd.s32 $0xFFFFE003, lr  }
0x1b: {  	s9 =	sadd.s32 $0xFFFFFEF7, lr;
	s5 =	simm.s32 $0xFFFFFFFF;
	p2 =	slt.u32 s8, $0xFFFFF086  }
0x1c: {  	p1 =	slt.u32 s9, $0xF7A;
	s5 =	simm.s32 @!p2 $0x0  }
0x1d: {  	s5 =	simm.s32 @p1 $0x1;
	p0 =	seq.s32 s7, s2  }
0x1e: {  	s7 =	smul.u32 @!p0 $0xF7A, s2;
	p2 =	seq.s32 @!p0 s5, $0x0  }
0x1f: {  	s9 =	smul.u32 $0xF7A, s1;
	s8 =	simm.s32 @!p0 $0x1BF5;
	p2 =	por !p2, p0  }
0x20: {  	[sflag:s8] =	ssyncset.s32 @!p0 $0xFFFFF086;
	s6 =	sadd.s32 @!p0 s3, s7;
	s7 =	simm.s32 @!p0 $0x108  }
0x21: {  	s3 =	sadd.s32 s3, s9;
	s6 =	sadd.s32 @!p0 $0x88, s6;
	s7 =	simm.s32 @p2 $0x1082  }
0x22: {  	[simem:s7], [sflag:s8] =	dma.local @!p0 [hbm:s6], $0xF7A  }
0x23: {  	s9 =	sor.u32 $0xD0000000, s2;
	s6 =	simm.s32 $0x108;
	_ =	swait.ge @!p0 [sflag:s8], $0x0  }
0x24: {  	s3 =	sadd.s32 $0x88, s3;
	s6 =	simm.s32 @!p1 $0x1082;
	[sflag:s4] =	ssyncset.s32 $0xFFFFF086  }
0x25: {  	[simem:s6], [sflag:s4] =	dma.local [hbm:s3], $0xF7A  }
0x26: {  	[smem:$0x3F9B] =	sst s1;
	(tag) =	ssettag s2;
	_ =	strace s9  }
0x27: {  	s1 =	sld [smem:$0x3FAB]  }
0x28: {  	s2 =	sld [smem:$0x3FAC]  }
0x29: {  	s4 =	sld [smem:$0x3FAE]  }
0x2a: {  	p0 =	seq.s32 s5, $0x0;
	s5 =	sld [smem:$0x3FAF]  }
0x2b: {  	s6 =	sld [smem:$0x3FB0]  }
0x2c: {  	s7 =	sld [smem:$0x3FB1]  }
0x2d: {  	s3 =	simm.s32 $0x108;
	s8 =	sld [smem:$0x3FB2]  }
0x2e: {  	s3 =	simm.s32 @!p0 $0x1082;
	s9 =	sld [smem:$0x3FB3]  }
0x2f: {  	lr =	sadd.s32 s0, s3;
	s0 =	sld [smem:$0x3FAA]  }
0x30: {  	s3 =	sld [smem:$0x3FAD]  }
0x31: {  	[smem:$0x3FB6] =	sst s10  }
0x32: {  	s10 =	sld [smem:$0x3FB4];
	_ =	sdelay $0x3  }
0x33: {  	p0 =	seq.s32 s10, $0x1;
	s10 =	sld [smem:$0x3FB6];
	_ =	sdelay $0x3  }
0x34: {  	[smem:$0x3FB6] =	sst s10  }
0x35: {  	s10 =	sld [smem:$0x3FB5];
	_ =	sdelay $0x3  }
0x36: {  	p1 =	seq.s32 s10, $0x1;
	s10 =	sld [smem:$0x3FB6];
	_ =	sdelay $0x3  }
0x37: {  	[smem:$0x3FB6] =	sst s10  }
0x38: {  	s10 =	sld [smem:$0x3FB7]  }
0x39: {  	_ = 	snop;
	(pc) =	sbr.ind lr, $3  }
0x3a: {  	_ = 	snop  }
0x3b: {  	_ = 	snop  }
0x3c: {  	p2 =	seq.s32 s10, $0x1;
	s10 =	sld [smem:$0x3FB6]  }
0x3d: {  	_ =	shalt  }
0x3e: {  	_ =	shalt  }
0x3f: {  	_ =	shalt  }
0x40: {  	_ =	shalt  }
0x41: {  	_ =	shalt  }
0x42: {  	_ =	shalt  }
0x43: {  	_ =	shalt  }
0x44: {  	_ =	shalt  }
0x45: {  	_ =	shalt  }
0x46: {  	_ =	shalt  }
0x47: {  	_ =	shalt  }
0x48: {  	_ =	shalt  }
0x49: {  	_ =	shalt  }
0x4a: {  	_ =	shalt  }
0x4b: {  	_ =	shalt  }
0x4c: {  	_ =	shalt  }
0x4d: {  	_ =	shalt  }
0x4e: {  	_ =	shalt  }
0x4f: {  	_ =	shalt  }
0x50: {  	_ =	shalt  }
0x51: {  	_ =	shalt  }
0x52: {  	_ =	shalt  }
0x53: {  	_ =	shalt  }
0x54: {  	_ =	shalt  }
0x55: {  	_ =	shalt  }
0x56: {  	_ =	shalt  }
0x57: {  	_ =	shalt  }
0x58: {  	_ =	shalt  }
0x59: {  	_ =	shalt  }
0x5a: {  	_ =	shalt  }
0x5b: {  	_ =	shalt  }
0x5c: {  	_ =	shalt  }
0x5d: {  	_ =	shalt  }
0x5e: {  	_ =	shalt  }
0x5f: {  	_ =	shalt  }
0x60: {  	_ =	shalt  }
0x61: {  	_ =	shalt  }
0x62: {  	_ =	shalt  }
0x63: {  	_ =	shalt  }
0x64: {  	_ =	shalt  }
0x65: {  	_ =	shalt  }
0x66: {  	_ =	shalt  }
0x67: {  	_ =	shalt  }
0x68: {  	_ =	shalt  }
0x69: {  	_ =	shalt  }
0x6a: {  	_ =	shalt  }
0x6b: {  	_ =	shalt  }
0x6c: {  	_ =	shalt  }
0x6d: {  	_ =	shalt  }
0x6e: {  	_ =	shalt  }
0x6f: {  	_ =	shalt  }
0x70: {  	_ =	shalt  }
0x71: {  	_ =	shalt  }
0x72: {  	_ =	shalt  }
0x73: {  	_ =	shalt  }
0x74: {  	_ =	shalt  }
0x75: {  	_ =	shalt  }
0x76: {  	_ =	shalt  }
0x77: {  	_ =	shalt  }
0x78: {  	_ =	shalt  }
0x79: {  	_ =	shalt  }
0x7a: {  	_ =	shalt  }
0x7b: {  	_ =	shalt  }
0x7c: {  	_ =	shalt  }
0x7d: {  	_ =	shalt  }
0x7e: {  	_ =	shalt  }
0x7f: {  	_ =	shalt  }
0x80: {  	_ =	shalt  }
0x81: {  	_ =	shalt  }
0x82: {  	_ =	shalt  }
0x83: {  	_ =	shalt  }
0x84: {  	_ =	shalt  }
0x85: {  	_ =	shalt  }
0x86: {  	_ =	shalt  }
0x87: {  	_ =	shalt  }
.Lfunc_end0:
.L_simem_size_0:
called_computation_lowered:
.L_overlay_start_0:
0x88: {  	s2 =	sld [smem:$0x3FD9]  }
0x89: {  	s3 =	sld [smem:$0x3FFE];
	_ =	sdelay $0x1  }
0x8a: {  	s1 =	srdreg.scid  }
0x8b: {  	s0 =	sand.u32 $0x1, s1  }
0x8c: {  	s17 =	sshll.u32 s0, $0xA;
	s2 =	sadd.s32 s3, s2  }
0x8d: {  	s2 =	sadd.s32 s2, s17  }
0x8e: {  	[smem:$0x3FC2] =	sst s2  }
0x8f: {  	_ = 	snop  }
0x90: {  	s2 =	sld [smem:$0x3FD0];
	(tm) =	ssettm $0x1  }
0x91: {  	s18 =	sld [smem:$0x3FFB];
	_ =	sdelay $0x3  }
0x92: {  	_ =	strace s18  }
0x93: {  	s3 =	sld [smem:$0x3FFC];
	_ =	sdelay $0x3  }
0x94: {  	_ =	strace s3  }
0x95: {  	s3 =	sld [smem:$0x3FFD];
	_ =	sdelay $0x3  }
0x96: {  	_ =	strace s3  }
0x97: {  	_ =	strace $0x8FFFFFFF  }
0x98: {  	s19 =	sld [smem:$0x3FDB];
	_ =	sdelay $0x1  }
0x99: {  	s4 =	simm.s32 $_scs_section_size  }
0x9a: {  	s5 =	simm.s32 $_size__tile_overlayer_lowered;
	s6 =	simm.s32 $_tile_overlayer_lowered  }
0x9b: {  	s22 =	simm.s32 $0x1BFF;
	s21 =	sshll.u32 s6, $0x1;
	s3 =	sadd.s32 s4, s19  }
0x9c: {  	s7 =	simm.s32 $0x0;
	s20 =	sshll.u32 s5, $0x1;
	s5 =	sadd.s32 s21, s3  }
0x9d: {  	[timem:s7], [sflag:s22] =	dma.local [hbm:s5], s20  }
0x9e: {  	_ =	swait.ge [sflag:s22], s20  }
0x9f: {  	s4 =	ssub.s32 $0x0, s20;
	[sflag:s22] =	ssyncset.done $0x0  }
0xa0: {  	[sflag:s22] =	ssyncadd.s32 s4;
	_ =	sdelay $0x1  }
0xa1: {  	s23 =	simm.s32 $0x1B8B  }
0xa2: {  	_ =	swait.ge [sflag:s23], $0x1  }
0xa3: {  	[sflag:s23] =	ssyncset.done $0x0  }
0xa4: {  	s25 =	simm.s32 $0x1B8E;
	s24 =	sld [smem:$0x3FFE];
	[sflag:s23] =	ssyncadd.s32 $0xFFFFFFFF  }
0xa5: {  	s26 =	simm.s32 $execute0_lowered;
	[smem:$0x3FD2] =	sst s25  }
0xa6: {  	s5 =	sshll.u32 s26, $0x1;
	_ =	strace $0x80000046;
	[dreg:$0x1] =	wrdreg $0xFFFFFFFF  }
0xa7: {  	s28 =	simm.s32 $_size_execute0_lowered;
	s3 =	sadd.s32 s3, s5;
	[dreg:$0x0] =	wrdreg $0x0  }
0xa8: {  	s5 =	sshll.u32 s28, $0x1;
	[dreg:$0x2] =	wrdreg s3  }
0xa9: {  	[dreg:$0x3] =	wrdreg s5  }
0xaa: {  	[dreg:$0x4] =	wrdreg $0xC0  }
0xab: {  	_ =	task [dreg:s7], $0x5FFFF  }
0xac: {  	[dreg:$0x1] =	wrdreg $0xFFFFFFFF  }
0xad: {  	[dreg:$0x0] =	wrdreg $0x60  }
0xae: {  	[dreg:$0x2] =	wrdreg s24  }
0xaf: {  	[dreg:$0x3] =	wrdreg s2  }
0xb0: {  	[dreg:$0x4] =	wrdreg $0x9  }
0xb1: {  	_ =	task.clear_ibuf [dreg:s7], $0x5FFFF;
	_ =	strace $0x90000046  }
0xb2: {  	s29 =	simm.s32 $0x9;
	_ =	strace $0x80000048  }
0xb3: {  	_ =	swait.ge [sflag:s29], $0x1  }
0xb4: {  	[sflag:s29] =	ssyncadd.s32 $0xFFFFFFFF  }
0xb5: {  	_ =	strace $0x90000048  }
0xb6: {  	_ =	sfence  }
0xb7: {  	s30 =	sld [smem:$0x0];
	_ =	sdelay $0x2  }
0xb8: {  	s31 =	sshll.u32 s1, $0xD;
	s1 =	sshrl.u32 s1, $0x2  }
0xb9: {  	s3 =	sand.u32 $0x4000, s31;
	s1 =	sadd.s32 s1, s30  }
0xba: {  	s0 =	sor.u32 s3, s0;
	s1 =	sshll.u32 s1, $0x11  }
0xbb: {  	s0 =	sor.u32 s1, s0  }
0xbc: {  	s0 =	sadd.s32 $0x8F2B, s0  }
0xbd: {  	[sflag:s0] =	ssyncadd.remote.s32 $0x1  }
0xbe: {  	_ =	sfence.sel $0xFFFF  }
0xbf: {  	[dreg:$0x0] =	wrdreg $0xFFFFFFFF;
	(pc) =	sbr.abs _section_cstart, $3  }
0xc0: {  	[dreg:$0x1] =	wrdreg $0xFFFFFFFF  }
0xc1: {  	_ =	task.clear_ibuf [dreg:s7], $0x2FFFF;
	_ =	strace $0x9FFFFFFF  }
0xc2: {  	(tm) =	ssettm $0x7FFFFFFF  }
0xc3: {  	_ =	shalt  }
tec
execute0_lowered:
.L_overlay_start_1:
0x0: {  	(tag) =	ssettag $0x1  }
0x1: {  	s0 =	srdreg.scid;
	s2 =	stileid.u32  }
0x2: {  	s1 =	rddreg [dreg:$0x0];
	s0 =	sand.u32 $0x1, s0;
	s2 =	sshll.u32 s2, $0x1  }
0x3: {  	s3 =	rddreg [dreg:$0x1];
	s31 =	simm.s32 $0x100;
	s4 =	sor.u32 s0, s2  }
0x4: {  	s8 =	simm.s32 $0x2;
	s30 =	simm.s32 $0x180;
	s5 =	smul.u32 $0x140, s4  }
0x5: {  	s29 =	simm.s32 $0x200;
	s2 =	simm.s32 $0x0;
	s6 =	smul.u32 $0x5000, s4  }
0x6: {  	s28 =	simm.s32 $0x280;
	[smem:$0x7FF] =	sst s2;
	s5 =	sadd.s32 s5, s1  }
0x7: {  	s4 =	smul.u32 $0x28000, s4;
	s23 =	sadd.s32 s3, s6;
	s5 =	sadd.s32 $0x800, s5  }
0x8: {  	_ =	strace $0x80000047;
	s9 =	sadd.s32 $0x400, s23;
	[dreg:$0x3] =	wrdreg s5  }
0x9: {  	s4 =	sshrl.u32 s4, $0x3;
	s10 =	sadd.s32 $0x800, s23;
	[dreg:$0x4] =	wrdreg s9  }
0xa: {  	s11 =	sadd.s32 $0xC00, s23;
	s4 =	sadd.s32 s3, s4;
	[dreg:$0x5] =	wrdreg s10  }
0xb: {  	p0 =	por $0x0, $0x0;
	[dreg:$0x6] =	wrdreg s11;
	s3 =	sadd.s32 $0x1000, s4  }
0xc: {  	s0 =	ssub.s32 $0x2, s0;
	s12 =	sadd.s32 $0x1400, s4;
	[dreg:$0x7] =	wrdreg s3  }
0xd: {  	s25 =	sshrl.u32 s0, $0x1;
	s13 =	sadd.s32 $0x1800, s4;
	[dreg:$0x8] =	wrdreg s12  }
0xe: {  	s0 =	ssub.s32 s0, s25;
	s14 =	sadd.s32 $0x1C00, s4;
	[dreg:$0x9] =	wrdreg s13  }
0xf: {  	s25 =	simm.s32 $0x380;
	s15 =	sadd.s32 $0x2000, s4;
	[dreg:$0xa] =	wrdreg s14  }
0x10: {  	s0 =	smax.u32 s0, $0x1;
	s16 =	sadd.s32 $0x2400, s4;
	[dreg:$0xb] =	wrdreg s15  }
0x11: {  	s6 =	simm.s32 $0x2A00;
	s17 =	sadd.s32 $0x2800, s4;
	[dreg:$0xc] =	wrdreg s16  }
0x12: {  	p1 =	sne.s32 s0, $0x1;
	s18 =	sadd.s32 $0x2C00, s4;
	[dreg:$0xd] =	wrdreg s17  }
0x13: {  	s19 =	sadd.s32 $0x3000, s4;
	s20 =	sadd.s32 $0x3400, s4;
	[dreg:$0xe] =	wrdreg s18  }
0x14: {  	s21 =	sadd.s32 $0x3800, s4;
	s22 =	sadd.s32 $0x3C00, s4;
	[dreg:$0xf] =	wrdreg s19  }
0x15: {  	s24 =	sadd.s32 $0x4000, s4;
	s26 =	sadd.s32 $0x4400, s4;
	[dreg:$0x10] =	wrdreg s20  }
0x16: {  	s7 =	sadd.s32 $0x4800, s4;
	s5 =	sadd.s32 $0x4C00, s4;
	[dreg:$0x11] =	wrdreg s21  }
0x17: {  	s4 =	simm.s32 $0x3;
	s10 =	simm.s32 $0x80;
	[dreg:$0x12] =	wrdreg s22  }
0x18: {  	s9 =	simm.s32 $0xA00;
	s11 =	simm.s32 $0x1;
	[dreg:$0x13] =	wrdreg s24  }
0x19: {  	s3 =	sadd.s32 $0x3000, s1;
	[dreg:$0x14] =	wrdreg s26;
	s26 =	simm.s32 $0x300  }
.Ltmp0:
0x1a: {  	s24 =	simm.s32 $0x400;
	s22 =	simm.s32 $0x480;
	(pc) =	sbr.rel @!p1 .LBB2_3-.Ltmp0, $4  }
0x1b: {  	s21 =	simm.s32 $0x500;
	s20 =	simm.s32 $0x580;
	s19 =	simm.s32 $0x600  }
0x1c: {  	s18 =	simm.s32 $0x680;
	s1 =	sadd.s32 $0xFFFFFFFF, s0;
	s17 =	simm.s32 $0x700  }
0x1d: {  	s16 =	simm.s32 $0x780;
	s15 =	simm.s32 $0x800;
	s14 =	simm.s32 $0x880  }
0x1e: {  	s13 =	simm.s32 $0x900;
	s12 =	simm.s32 $0x980;
	s0 =	rddreg [dreg:$0x3]  }
0x1f: {  	[tilespmem:s2], [sflag:$0x3] =	stream.linear.gather [hbm4b:s0+s2], $0xA00, $0x38;
	[tilespmem:$0x4A00] =	vst v63  }
0x20: {  	_ =	swait.ge [sflag:s4], $0xA00  }
0x21: {  	[sflag:s4] =	ssyncset.done $0x0  }
0x22: {  	[sflag:s4] =	ssyncadd.s32 $0xFFFFF600  }
0x23: {  	[tilespmem:s9], [sflag:$0x1] =	stream.indirect.gather [hbm4b:s3+s10], $0x40, s2, s10, $0xb8;
	[tilespmem:$0x4A00] =	vst v63  }
0x24: {  	_ = 	snop  }
0x25: {  	[tilespmem:s6], [sflag:$0x2] =	stream.indirect.gather [hbm4b:s3+s10], $0x40, s10, s10, $0xb8;
	[tilespmem:$0x4A00] =	vst v63  }
0x26: {  	_ =	swait.ge [sflag:s11], $0x2000  }
0x27: {  	[sflag:s11] =	ssyncset.done $0x0  }
0x28: {  	[sflag:s11] =	ssyncadd.s32 $0xFFFFE000  }
0x29: {  	[hbm4b:s23+s2] =	stream.linear.scatter [tilespmem:s9], [sflag:$0x3], $0x2000, $0x38;
	[tilespmem:$0x4A00] =	vst v63  }
0x2a: {  	_ =	swait.ge [sflag:s4], $0x2000  }
0x2b: {  	[sflag:s4] =	ssyncset.done $0x0  }
0x2c: {  	[sflag:s4] =	ssyncadd.s32 $0xFFFFE000  }
0x2d: {  	[tilespmem:s9], [sflag:$0x1] =	stream.indirect.gather [hbm4b:s3+s10], $0x40, s31, s10, $0xb8;
	[tilespmem:$0x4A00] =	vst v63  }
0x2e: {  	_ =	swait.ge [sflag:s8], $0x2000  }
0x2f: {  	[sflag:s8] =	ssyncset.done $0x0  }
0x30: {  	s0 =	rddreg [dreg:$0x4];
	[sflag:s8] =	ssyncadd.s32 $0xFFFFE000  }
0x31: {  	[hbm4b:s0+s2] =	stream.linear.scatter [tilespmem:s6], [sflag:$0x3], $0x2000, $0x38;
	[tilespmem:$0x4A00] =	vst v63  }
0x32: {  	_ =	swait.ge [sflag:s4], $0x2000  }
0x33: {  	[sflag:s4] =	ssyncset.done $0x0  }
0x34: {  	[sflag:s4] =	ssyncadd.s32 $0xFFFFE000  }
0x35: {  	[tilespmem:s6], [sflag:$0x2] =	stream.indirect.gather [hbm4b:s3+s10], $0x40, s30, s10, $0xb8;
	[tilespmem:$0x4A00] =	vst v63  }
0x36: {  	_ =	swait.ge [sflag:s11], $0x2000  }
0x37: {  	[sflag:s11] =	ssyncset.done $0x0  }
0x38: {  	s0 =	rddreg [dreg:$0x5];
	[sflag:s11] =	ssyncadd.s32 $0xFFFFE000  }
0x39: {  	[hbm4b:s0+s2] =	stream.linear.scatter [tilespmem:s9], [sflag:$0x3], $0x2000, $0x38;
	[tilespmem:$0x4A00] =	vst v63  }
0x3a: {  	_ =	swait.ge [sflag:s4], $0x2000  }
0x3b: {  	[sflag:s4] =	ssyncset.done $0x0  }
0x3c: {  	[sflag:s4] =	ssyncadd.s32 $0xFFFFE000  }
0x3d: {  	[tilespmem:s9], [sflag:$0x1] =	stream.indirect.gather [hbm4b:s3+s10], $0x40, s29, s10, $0xb8;
	[tilespmem:$0x4A00] =	vst v63  }
0x3e: {  	_ =	swait.ge [sflag:s8], $0x2000  }
0x3f: {  	[sflag:s8] =	ssyncset.done $0x0  }
0x40: {  	s0 =	rddreg [dreg:$0x6];
	[sflag:s8] =	ssyncadd.s32 $0xFFFFE000  }
0x41: {  	[hbm4b:s0+s2] =	stream.linear.scatter [tilespmem:s6], [sflag:$0x3], $0x2000, $0x38;
	[tilespmem:$0x4A00] =	vst v63  }
0x42: {  	_ =	swait.ge [sflag:s4], $0x2000  }
0x43: {  	[sflag:s4] =	ssyncset.done $0x0  }
0x44: {  	[sflag:s4] =	ssyncadd.s32 $0xFFFFE000  }
0x45: {  	[tilespmem:s6], [sflag:$0x2] =	stream.indirect.gather [hbm4b:s3+s10], $0x40, s28, s10, $0xb8;
	[tilespmem:$0x4A00] =	vst v63  }
0x46: {  	_ =	swait.ge [sflag:s11], $0x2000  }
0x47: {  	[sflag:s11] =	ssyncset.done $0x0  }
0x48: {  	s0 =	rddreg [dreg:$0x7];
	[sflag:s11] =	ssyncadd.s32 $0xFFFFE000  }
0x49: {  	[hbm4b:s0+s2] =	stream.linear.scatter [tilespmem:s9], [sflag:$0x3], $0x2000, $0x38;
	[tilespmem:$0x4A00] =	vst v63  }
0x4a: {  	_ =	swait.ge [sflag:s4], $0x2000  }
0x4b: {  	[sflag:s4] =	ssyncset.done $0x0  }
0x4c: {  	[sflag:s4] =	ssyncadd.s32 $0xFFFFE000  }
0x4d: {  	[tilespmem:s9], [sflag:$0x1] =	stream.indirect.gather [hbm4b:s3+s10], $0x40, s26, s10, $0xb8;
	[tilespmem:$0x4A00] =	vst v63  }
0x4e: {  	_ =	swait.ge [sflag:s8], $0x2000  }
0x4f: {  	[sflag:s8] =	ssyncset.done $0x0  }
0x50: {  	s0 =	rddreg [dreg:$0x8];
	[sflag:s8] =	ssyncadd.s32 $0xFFFFE000  }
0x51: {  	[hbm4b:s0+s2] =	stream.linear.scatter [tilespmem:s6], [sflag:$0x3], $0x2000, $0x38;
	[tilespmem:$0x4A00] =	vst v63  }
0x52: {  	_ =	swait.ge [sflag:s4], $0x2000  }
0x53: {  	[sflag:s4] =	ssyncset.done $0x0  }
0x54: {  	[sflag:s4] =	ssyncadd.s32 $0xFFFFE000  }
0x55: {  	[tilespmem:s6], [sflag:$0x2] =	stream.indirect.gather [hbm4b:s3+s10], $0x40, s25, s10, $0xb8;
	[tilespmem:$0x4A00] =	vst v63  }
0x56: {  	_ =	swait.ge [sflag:s11], $0x2000  }
0x57: {  	[sflag:s11] =	ssyncset.done $0x0  }
0x58: {  	s0 =	rddreg [dreg:$0x9];
	[sflag:s11] =	ssyncadd.s32 $0xFFFFE000  }
0x59: {  	[hbm4b:s0+s2] =	stream.linear.scatter [tilespmem:s9], [sflag:$0x3], $0x2000, $0x38;
	[tilespmem:$0x4A00] =	vst v63  }
0x5a: {  	_ =	swait.ge [sflag:s4], $0x2000  }
0x5b: {  	[sflag:s4] =	ssyncset.done $0x0  }
0x5c: {  	[sflag:s4] =	ssyncadd.s32 $0xFFFFE000  }
0x5d: {  	[tilespmem:s9], [sflag:$0x1] =	stream.indirect.gather [hbm4b:s3+s10], $0x40, s24, s10, $0xb8;
	[tilespmem:$0x4A00] =	vst v63  }
0x5e: {  	_ =	swait.ge [sflag:s8], $0x2000  }
0x5f: {  	[sflag:s8] =	ssyncset.done $0x0  }
0x60: {  	s0 =	rddreg [dreg:$0xa];
	[sflag:s8] =	ssyncadd.s32 $0xFFFFE000  }
0x61: {  	[hbm4b:s0+s2] =	stream.linear.scatter [tilespmem:s6], [sflag:$0x3], $0x2000, $0x38;
	[tilespmem:$0x4A00] =	vst v63  }
0x62: {  	_ =	swait.ge [sflag:s4], $0x2000  }
0x63: {  	[sflag:s4] =	ssyncset.done $0x0  }
0x64: {  	[sflag:s4] =	ssyncadd.s32 $0xFFFFE000  }
0x65: {  	[tilespmem:s6], [sflag:$0x2] =	stream.indirect.gather [hbm4b:s3+s10], $0x40, s22, s10, $0xb8;
	[tilespmem:$0x4A00] =	vst v63  }
0x66: {  	_ =	swait.ge [sflag:s11], $0x2000  }
0x67: {  	[sflag:s11] =	ssyncset.done $0x0  }
0x68: {  	s0 =	rddreg [dreg:$0xb];
	[sflag:s11] =	ssyncadd.s32 $0xFFFFE000  }
0x69: {  	[hbm4b:s0+s2] =	stream.linear.scatter [tilespmem:s9], [sflag:$0x3], $0x2000, $0x38;
	[tilespmem:$0x4A00] =	vst v63  }
0x6a: {  	_ =	swait.ge [sflag:s4], $0x2000  }
0x6b: {  	[sflag:s4] =	ssyncset.done $0x0  }
0x6c: {  	[sflag:s4] =	ssyncadd.s32 $0xFFFFE000  }
0x6d: {  	[tilespmem:s9], [sflag:$0x1] =	stream.indirect.gather [hbm4b:s3+s10], $0x40, s21, s10, $0xb8;
	[tilespmem:$0x4A00] =	vst v63  }
0x6e: {  	_ =	swait.ge [sflag:s8], $0x2000  }
0x6f: {  	[sflag:s8] =	ssyncset.done $0x0  }
0x70: {  	s0 =	rddreg [dreg:$0xc];
	[sflag:s8] =	ssyncadd.s32 $0xFFFFE000  }
0x71: {  	[hbm4b:s0+s2] =	stream.linear.scatter [tilespmem:s6], [sflag:$0x3], $0x2000, $0x38;
	[tilespmem:$0x4A00] =	vst v63  }
0x72: {  	_ =	swait.ge [sflag:s4], $0x2000  }
0x73: {  	[sflag:s4] =	ssyncset.done $0x0  }
0x74: {  	[sflag:s4] =	ssyncadd.s32 $0xFFFFE000  }
0x75: {  	[tilespmem:s6], [sflag:$0x2] =	stream.indirect.gather [hbm4b:s3+s10], $0x40, s20, s10, $0xb8;
	[tilespmem:$0x4A00] =	vst v63  }
0x76: {  	_ =	swait.ge [sflag:s11], $0x2000  }
0x77: {  	[sflag:s11] =	ssyncset.done $0x0  }
0x78: {  	s0 =	rddreg [dreg:$0xd];
	[sflag:s11] =	ssyncadd.s32 $0xFFFFE000  }
0x79: {  	[hbm4b:s0+s2] =	stream.linear.scatter [tilespmem:s9], [sflag:$0x3], $0x2000, $0x38;
	[tilespmem:$0x4A00] =	vst v63  }
0x7a: {  	_ =	swait.ge [sflag:s4], $0x2000  }
0x7b: {  	[sflag:s4] =	ssyncset.done $0x0  }
0x7c: {  	[sflag:s4] =	ssyncadd.s32 $0xFFFFE000  }
0x7d: {  	[tilespmem:s9], [sflag:$0x1] =	stream.indirect.gather [hbm4b:s3+s10], $0x40, s19, s10, $0xb8;
	[tilespmem:$0x4A00] =	vst v63  }
0x7e: {  	_ =	swait.ge [sflag:s8], $0x2000  }
0x7f: {  	[sflag:s8] =	ssyncset.done $0x0  }
0x80: {  	s0 =	rddreg [dreg:$0xe];
	[sflag:s8] =	ssyncadd.s32 $0xFFFFE000  }
0x81: {  	[hbm4b:s0+s2] =	stream.linear.scatter [tilespmem:s6], [sflag:$0x3], $0x2000, $0x38;
	[tilespmem:$0x4A00] =	vst v63  }
0x82: {  	_ =	swait.ge [sflag:s4], $0x2000  }
0x83: {  	[sflag:s4] =	ssyncset.done $0x0  }
0x84: {  	[sflag:s4] =	ssyncadd.s32 $0xFFFFE000  }
0x85: {  	[tilespmem:s6], [sflag:$0x2] =	stream.indirect.gather [hbm4b:s3+s10], $0x40, s18, s10, $0xb8;
	[tilespmem:$0x4A00] =	vst v63  }
0x86: {  	_ =	swait.ge [sflag:s11], $0x2000  }
0x87: {  	[sflag:s11] =	ssyncset.done $0x0  }
0x88: {  	s0 =	rddreg [dreg:$0xf];
	[sflag:s11] =	ssyncadd.s32 $0xFFFFE000  }
0x89: {  	[hbm4b:s0+s2] =	stream.linear.scatter [tilespmem:s9], [sflag:$0x3], $0x2000, $0x38;
	[tilespmem:$0x4A00] =	vst v63  }
0x8a: {  	_ =	swait.ge [sflag:s4], $0x2000  }
0x8b: {  	[sflag:s4] =	ssyncset.done $0x0  }
0x8c: {  	[sflag:s4] =	ssyncadd.s32 $0xFFFFE000  }
0x8d: {  	[tilespmem:s9], [sflag:$0x1] =	stream.indirect.gather [hbm4b:s3+s10], $0x40, s17, s10, $0xb8;
	[tilespmem:$0x4A00] =	vst v63  }
0x8e: {  	_ =	swait.ge [sflag:s8], $0x2000  }
0x8f: {  	[sflag:s8] =	ssyncset.done $0x0  }
0x90: {  	s0 =	rddreg [dreg:$0x10];
	[sflag:s8] =	ssyncadd.s32 $0xFFFFE000  }
0x91: {  	[hbm4b:s0+s2] =	stream.linear.scatter [tilespmem:s6], [sflag:$0x3], $0x2000, $0x38;
	[tilespmem:$0x4A00] =	vst v63  }
0x92: {  	_ =	swait.ge [sflag:s4], $0x2000  }
0x93: {  	[sflag:s4] =	ssyncset.done $0x0  }
0x94: {  	[sflag:s4] =	ssyncadd.s32 $0xFFFFE000  }
0x95: {  	[tilespmem:s6], [sflag:$0x2] =	stream.indirect.gather [hbm4b:s3+s10], $0x40, s16, s10, $0xb8;
	[tilespmem:$0x4A00] =	vst v63  }
0x96: {  	_ =	swait.ge [sflag:s11], $0x2000  }
0x97: {  	[sflag:s11] =	ssyncset.done $0x0  }
0x98: {  	s0 =	rddreg [dreg:$0x11];
	[sflag:s11] =	ssyncadd.s32 $0xFFFFE000  }
0x99: {  	[hbm4b:s0+s2] =	stream.linear.scatter [tilespmem:s9], [sflag:$0x3], $0x2000, $0x38;
	[tilespmem:$0x4A00] =	vst v63  }
0x9a: {  	_ =	swait.ge [sflag:s4], $0x2000  }
0x9b: {  	[sflag:s4] =	ssyncset.done $0x0  }
0x9c: {  	[sflag:s4] =	ssyncadd.s32 $0xFFFFE000  }
0x9d: {  	[tilespmem:s9], [sflag:$0x1] =	stream.indirect.gather [hbm4b:s3+s10], $0x40, s15, s10, $0xb8;
	[tilespmem:$0x4A00] =	vst v63  }
0x9e: {  	_ =	swait.ge [sflag:s8], $0x2000  }
0x9f: {  	[sflag:s8] =	ssyncset.done $0x0  }
0xa0: {  	s0 =	rddreg [dreg:$0x12];
	[sflag:s8] =	ssyncadd.s32 $0xFFFFE000  }
0xa1: {  	[hbm4b:s0+s2] =	stream.linear.scatter [tilespmem:s6], [sflag:$0x3], $0x2000, $0x38;
	[tilespmem:$0x4A00] =	vst v63  }
0xa2: {  	_ =	swait.ge [sflag:s4], $0x2000  }
0xa3: {  	[sflag:s4] =	ssyncset.done $0x0  }
0xa4: {  	[sflag:s4] =	ssyncadd.s32 $0xFFFFE000  }
0xa5: {  	[tilespmem:s6], [sflag:$0x2] =	stream.indirect.gather [hbm4b:s3+s10], $0x40, s14, s10, $0xb8;
	[tilespmem:$0x4A00] =	vst v63  }
0xa6: {  	_ =	swait.ge [sflag:s11], $0x2000  }
0xa7: {  	[sflag:s11] =	ssyncset.done $0x0  }
0xa8: {  	s0 =	rddreg [dreg:$0x13];
	[sflag:s11] =	ssyncadd.s32 $0xFFFFE000  }
0xa9: {  	[hbm4b:s0+s2] =	stream.linear.scatter [tilespmem:s9], [sflag:$0x3], $0x2000, $0x38;
	[tilespmem:$0x4A00] =	vst v63  }
0xaa: {  	_ =	swait.ge [sflag:s4], $0x2000  }
0xab: {  	[sflag:s4] =	ssyncset.done $0x0  }
0xac: {  	[sflag:s4] =	ssyncadd.s32 $0xFFFFE000  }
0xad: {  	[tilespmem:s9], [sflag:$0x1] =	stream.indirect.gather [hbm4b:s3+s10], $0x40, s13, s10, $0xb8;
	[tilespmem:$0x4A00] =	vst v63  }
0xae: {  	_ =	swait.ge [sflag:s8], $0x2000  }
0xaf: {  	[sflag:s8] =	ssyncset.done $0x0  }
0xb0: {  	s0 =	rddreg [dreg:$0x14];
	[sflag:s8] =	ssyncadd.s32 $0xFFFFE000  }
0xb1: {  	[hbm4b:s0+s2] =	stream.linear.scatter [tilespmem:s6], [sflag:$0x3], $0x2000, $0x38;
	[tilespmem:$0x4A00] =	vst v63  }
0xb2: {  	_ =	swait.ge [sflag:s4], $0x2000  }
0xb3: {  	[sflag:s4] =	ssyncset.done $0x0  }
0xb4: {  	[sflag:s4] =	ssyncadd.s32 $0xFFFFE000  }
0xb5: {  	[tilespmem:s6], [sflag:$0x2] =	stream.indirect.gather [hbm4b:s3+s10], $0x40, s12, s10, $0xb8;
	[tilespmem:$0x4A00] =	vst v63  }
0xb6: {  	_ =	swait.ge [sflag:s11], $0x2000  }
0xb7: {  	[sflag:s11] =	ssyncset.done $0x0  }
0xb8: {  	[sflag:s11] =	ssyncadd.s32 $0xFFFFE000  }
0xb9: {  	[hbm4b:s7+s2] =	stream.linear.scatter [tilespmem:s9], [sflag:$0x3], $0x2000, $0x38;
	[tilespmem:$0x4A00] =	vst v63  }
0xba: {  	_ =	swait.ge [sflag:s4], $0x2000  }
0xbb: {  	[sflag:s4] =	ssyncset.done $0x0  }
0xbc: {  	[sflag:s4] =	ssyncadd.s32 $0xFFFFE000  }
0xbd: {  	p1 =	sne.s32 s1, $0x1;
	_ =	swait.ge [sflag:s8], $0x2000  }
.Ltmp1:
0xbe: {  	[sflag:s8] =	ssyncset.done $0x0;
	(pc) =	sbr.rel @!p1 .LBB2_3-.Ltmp1, $4  }
0xbf: {  	[sflag:s8] =	ssyncadd.s32 $0xFFFFE000  }
0xc0: {  	[hbm4b:s5+s2] =	stream.linear.scatter [tilespmem:s6], [sflag:$0x3], $0x2000, $0x38;
	[tilespmem:$0x4A00] =	vst v63  }
0xc1: {  	s1 =	sadd.s32 $0xFFFFFFFF, s1;
	_ =	swait.ge [sflag:s4], $0x2000  }
0xc2: {  	p0 =	por $0x1, $0x1;
	s0 =	rddreg [dreg:$0x3];
	[sflag:s4] =	ssyncset.done $0x0  }
.LBB2_2:
0xc3: {  	[sflag:s4] =	ssyncadd.s32 $0xFFFFE000  }
0xc4: {  	[tilespmem:s2], [sflag:$0x3] =	stream.linear.gather [hbm4b:s0+s2], $0xA00, $0x38;
	[tilespmem:$0x4A00] =	vst v63  }
0xc5: {  	_ =	swait.ge [sflag:s4], $0xA00  }
0xc6: {  	[sflag:s4] =	ssyncset.done $0x0  }
0xc7: {  	[sflag:s4] =	ssyncadd.s32 $0xFFFFF600  }
0xc8: {  	[tilespmem:s9], [sflag:$0x1] =	stream.indirect.gather [hbm4b:s3+s10], $0x40, s2, s10, $0xb8;
	[tilespmem:$0x4A00] =	vst v63  }
0xc9: {  	_ = 	snop  }
0xca: {  	[tilespmem:s6], [sflag:$0x2] =	stream.indirect.gather [hbm4b:s3+s10], $0x40, s10, s10, $0xb8;
	[tilespmem:$0x4A00] =	vst v63  }
0xcb: {  	_ =	swait.ge [sflag:s11], $0x2000  }
0xcc: {  	[sflag:s11] =	ssyncset.done $0x0  }
0xcd: {  	[sflag:s11] =	ssyncadd.s32 $0xFFFFE000  }
0xce: {  	[hbm4b:s23+s2] =	stream.linear.scatter [tilespmem:s9], [sflag:$0x3], $0x2000, $0x38;
	[tilespmem:$0x4A00] =	vst v63  }
0xcf: {  	_ =	swait.ge [sflag:s4], $0x2000  }
0xd0: {  	[sflag:s4] =	ssyncset.done $0x0  }
0xd1: {  	[sflag:s4] =	ssyncadd.s32 $0xFFFFE000  }
0xd2: {  	[tilespmem:s9], [sflag:$0x1] =	stream.indirect.gather [hbm4b:s3+s10], $0x40, s31, s10, $0xb8;
	[tilespmem:$0x4A00] =	vst v63  }
0xd3: {  	_ =	swait.ge [sflag:s8], $0x2000  }
0xd4: {  	[sflag:s8] =	ssyncset.done $0x0  }
0xd5: {  	s0 =	rddreg [dreg:$0x4];
	[sflag:s8] =	ssyncadd.s32 $0xFFFFE000  }
0xd6: {  	[hbm4b:s0+s2] =	stream.linear.scatter [tilespmem:s6], [sflag:$0x3], $0x2000, $0x38;
	[tilespmem:$0x4A00] =	vst v63  }
0xd7: {  	_ =	swait.ge [sflag:s4], $0x2000  }
0xd8: {  	[sflag:s4] =	ssyncset.done $0x0  }
0xd9: {  	[sflag:s4] =	ssyncadd.s32 $0xFFFFE000  }
0xda: {  	[tilespmem:s6], [sflag:$0x2] =	stream.indirect.gather [hbm4b:s3+s10], $0x40, s30, s10, $0xb8;
	[tilespmem:$0x4A00] =	vst v63  }
0xdb: {  	_ =	swait.ge [sflag:s11], $0x2000  }
0xdc: {  	[sflag:s11] =	ssyncset.done $0x0  }
0xdd: {  	s0 =	rddreg [dreg:$0x5];
	[sflag:s11] =	ssyncadd.s32 $0xFFFFE000  }
0xde: {  	[hbm4b:s0+s2] =	stream.linear.scatter [tilespmem:s9], [sflag:$0x3], $0x2000, $0x38;
	[tilespmem:$0x4A00] =	vst v63  }
0xdf: {  	_ =	swait.ge [sflag:s4], $0x2000  }
0xe0: {  	[sflag:s4] =	ssyncset.done $0x0  }
0xe1: {  	[sflag:s4] =	ssyncadd.s32 $0xFFFFE000  }
0xe2: {  	[tilespmem:s9], [sflag:$0x1] =	stream.indirect.gather [hbm4b:s3+s10], $0x40, s29, s10, $0xb8;
	[tilespmem:$0x4A00] =	vst v63  }
0xe3: {  	_ =	swait.ge [sflag:s8], $0x2000  }
0xe4: {  	[sflag:s8] =	ssyncset.done $0x0  }
0xe5: {  	s0 =	rddreg [dreg:$0x6];
	[sflag:s8] =	ssyncadd.s32 $0xFFFFE000  }
0xe6: {  	[hbm4b:s0+s2] =	stream.linear.scatter [tilespmem:s6], [sflag:$0x3], $0x2000, $0x38;
	[tilespmem:$0x4A00] =	vst v63  }
0xe7: {  	_ =	swait.ge [sflag:s4], $0x2000  }
0xe8: {  	[sflag:s4] =	ssyncset.done $0x0  }
0xe9: {  	[sflag:s4] =	ssyncadd.s32 $0xFFFFE000  }
0xea: {  	[tilespmem:s6], [sflag:$0x2] =	stream.indirect.gather [hbm4b:s3+s10], $0x40, s28, s10, $0xb8;
	[tilespmem:$0x4A00] =	vst v63  }
0xeb: {  	_ =	swait.ge [sflag:s11], $0x2000  }
0xec: {  	[sflag:s11] =	ssyncset.done $0x0  }
0xed: {  	s0 =	rddreg [dreg:$0x7];
	[sflag:s11] =	ssyncadd.s32 $0xFFFFE000  }
0xee: {  	[hbm4b:s0+s2] =	stream.linear.scatter [tilespmem:s9], [sflag:$0x3], $0x2000, $0x38;
	[tilespmem:$0x4A00] =	vst v63  }
0xef: {  	_ =	swait.ge [sflag:s4], $0x2000  }
0xf0: {  	[sflag:s4] =	ssyncset.done $0x0  }
0xf1: {  	[sflag:s4] =	ssyncadd.s32 $0xFFFFE000  }
0xf2: {  	[tilespmem:s9], [sflag:$0x1] =	stream.indirect.gather [hbm4b:s3+s10], $0x40, s26, s10, $0xb8;
	[tilespmem:$0x4A00] =	vst v63  }
0xf3: {  	_ =	swait.ge [sflag:s8], $0x2000  }
0xf4: {  	[sflag:s8] =	ssyncset.done $0x0  }
0xf5: {  	s0 =	rddreg [dreg:$0x8];
	[sflag:s8] =	ssyncadd.s32 $0xFFFFE000  }
0xf6: {  	[hbm4b:s0+s2] =	stream.linear.scatter [tilespmem:s6], [sflag:$0x3], $0x2000, $0x38;
	[tilespmem:$0x4A00] =	vst v63  }
0xf7: {  	_ =	swait.ge [sflag:s4], $0x2000  }
0xf8: {  	[sflag:s4] =	ssyncset.done $0x0  }
0xf9: {  	[sflag:s4] =	ssyncadd.s32 $0xFFFFE000  }
0xfa: {  	[tilespmem:s6], [sflag:$0x2] =	stream.indirect.gather [hbm4b:s3+s10], $0x40, s25, s10, $0xb8;
	[tilespmem:$0x4A00] =	vst v63  }
0xfb: {  	_ =	swait.ge [sflag:s11], $0x2000  }
0xfc: {  	[sflag:s11] =	ssyncset.done $0x0  }
0xfd: {  	s0 =	rddreg [dreg:$0x9];
	[sflag:s11] =	ssyncadd.s32 $0xFFFFE000  }
0xfe: {  	[hbm4b:s0+s2] =	stream.linear.scatter [tilespmem:s9], [sflag:$0x3], $0x2000, $0x38;
	[tilespmem:$0x4A00] =	vst v63  }
0xff: {  	_ =	swait.ge [sflag:s4], $0x2000  }
0x100: {  	[sflag:s4] =	ssyncset.done $0x0  }
0x101: {  	[sflag:s4] =	ssyncadd.s32 $0xFFFFE000  }
0x102: {  	[tilespmem:s9], [sflag:$0x1] =	stream.indirect.gather [hbm4b:s3+s10], $0x40, s24, s10, $0xb8;
	[tilespmem:$0x4A00] =	vst v63  }
0x103: {  	_ =	swait.ge [sflag:s8], $0x2000  }
0x104: {  	[sflag:s8] =	ssyncset.done $0x0  }
0x105: {  	s0 =	rddreg [dreg:$0xa];
	[sflag:s8] =	ssyncadd.s32 $0xFFFFE000  }
0x106: {  	[hbm4b:s0+s2] =	stream.linear.scatter [tilespmem:s6], [sflag:$0x3], $0x2000, $0x38;
	[tilespmem:$0x4A00] =	vst v63  }
0x107: {  	_ =	swait.ge [sflag:s4], $0x2000  }
0x108: {  	[sflag:s4] =	ssyncset.done $0x0  }
0x109: {  	[sflag:s4] =	ssyncadd.s32 $0xFFFFE000  }
0x10a: {  	[tilespmem:s6], [sflag:$0x2] =	stream.indirect.gather [hbm4b:s3+s10], $0x40, s22, s10, $0xb8;
	[tilespmem:$0x4A00] =	vst v63  }
0x10b: {  	_ =	swait.ge [sflag:s11], $0x2000  }
0x10c: {  	[sflag:s11] =	ssyncset.done $0x0  }
0x10d: {  	s0 =	rddreg [dreg:$0xb];
	[sflag:s11] =	ssyncadd.s32 $0xFFFFE000  }
0x10e: {  	[hbm4b:s0+s2] =	stream.linear.scatter [tilespmem:s9], [sflag:$0x3], $0x2000, $0x38;
	[tilespmem:$0x4A00] =	vst v63  }
0x10f: {  	_ =	swait.ge [sflag:s4], $0x2000  }
0x110: {  	[sflag:s4] =	ssyncset.done $0x0  }
0x111: {  	[sflag:s4] =	ssyncadd.s32 $0xFFFFE000  }
0x112: {  	[tilespmem:s9], [sflag:$0x1] =	stream.indirect.gather [hbm4b:s3+s10], $0x40, s21, s10, $0xb8;
	[tilespmem:$0x4A00] =	vst v63  }
0x113: {  	_ =	swait.ge [sflag:s8], $0x2000  }
0x114: {  	[sflag:s8] =	ssyncset.done $0x0  }
0x115: {  	s0 =	rddreg [dreg:$0xc];
	[sflag:s8] =	ssyncadd.s32 $0xFFFFE000  }
0x116: {  	[hbm4b:s0+s2] =	stream.linear.scatter [tilespmem:s6], [sflag:$0x3], $0x2000, $0x38;
	[tilespmem:$0x4A00] =	vst v63  }
0x117: {  	_ =	swait.ge [sflag:s4], $0x2000  }
0x118: {  	[sflag:s4] =	ssyncset.done $0x0  }
0x119: {  	[sflag:s4] =	ssyncadd.s32 $0xFFFFE000  }
0x11a: {  	[tilespmem:s6], [sflag:$0x2] =	stream.indirect.gather [hbm4b:s3+s10], $0x40, s20, s10, $0xb8;
	[tilespmem:$0x4A00] =	vst v63  }
0x11b: {  	_ =	swait.ge [sflag:s11], $0x2000  }
0x11c: {  	[sflag:s11] =	ssyncset.done $0x0  }
0x11d: {  	s0 =	rddreg [dreg:$0xd];
	[sflag:s11] =	ssyncadd.s32 $0xFFFFE000  }
0x11e: {  	[hbm4b:s0+s2] =	stream.linear.scatter [tilespmem:s9], [sflag:$0x3], $0x2000, $0x38;
	[tilespmem:$0x4A00] =	vst v63  }
0x11f: {  	_ =	swait.ge [sflag:s4], $0x2000  }
0x120: {  	[sflag:s4] =	ssyncset.done $0x0  }
0x121: {  	[sflag:s4] =	ssyncadd.s32 $0xFFFFE000  }
0x122: {  	[tilespmem:s9], [sflag:$0x1] =	stream.indirect.gather [hbm4b:s3+s10], $0x40, s19, s10, $0xb8;
	[tilespmem:$0x4A00] =	vst v63  }
0x123: {  	_ =	swait.ge [sflag:s8], $0x2000  }
0x124: {  	[sflag:s8] =	ssyncset.done $0x0  }
0x125: {  	s0 =	rddreg [dreg:$0xe];
	[sflag:s8] =	ssyncadd.s32 $0xFFFFE000  }
0x126: {  	[hbm4b:s0+s2] =	stream.linear.scatter [tilespmem:s6], [sflag:$0x3], $0x2000, $0x38;
	[tilespmem:$0x4A00] =	vst v63  }
0x127: {  	_ =	swait.ge [sflag:s4], $0x2000  }
0x128: {  	[sflag:s4] =	ssyncset.done $0x0  }
0x129: {  	[sflag:s4] =	ssyncadd.s32 $0xFFFFE000  }
0x12a: {  	[tilespmem:s6], [sflag:$0x2] =	stream.indirect.gather [hbm4b:s3+s10], $0x40, s18, s10, $0xb8;
	[tilespmem:$0x4A00] =	vst v63  }
0x12b: {  	_ =	swait.ge [sflag:s11], $0x2000  }
0x12c: {  	[sflag:s11] =	ssyncset.done $0x0  }
0x12d: {  	s0 =	rddreg [dreg:$0xf];
	[sflag:s11] =	ssyncadd.s32 $0xFFFFE000  }
0x12e: {  	[hbm4b:s0+s2] =	stream.linear.scatter [tilespmem:s9], [sflag:$0x3], $0x2000, $0x38;
	[tilespmem:$0x4A00] =	vst v63  }
0x12f: {  	_ =	swait.ge [sflag:s4], $0x2000  }
0x130: {  	[sflag:s4] =	ssyncset.done $0x0  }
0x131: {  	[sflag:s4] =	ssyncadd.s32 $0xFFFFE000  }
0x132: {  	[tilespmem:s9], [sflag:$0x1] =	stream.indirect.gather [hbm4b:s3+s10], $0x40, s17, s10, $0xb8;
	[tilespmem:$0x4A00] =	vst v63  }
0x133: {  	_ =	swait.ge [sflag:s8], $0x2000  }
0x134: {  	[sflag:s8] =	ssyncset.done $0x0  }
0x135: {  	s0 =	rddreg [dreg:$0x10];
	[sflag:s8] =	ssyncadd.s32 $0xFFFFE000  }
0x136: {  	[hbm4b:s0+s2] =	stream.linear.scatter [tilespmem:s6], [sflag:$0x3], $0x2000, $0x38;
	[tilespmem:$0x4A00] =	vst v63  }
0x137: {  	_ =	swait.ge [sflag:s4], $0x2000  }
0x138: {  	[sflag:s4] =	ssyncset.done $0x0  }
0x139: {  	[sflag:s4] =	ssyncadd.s32 $0xFFFFE000  }
0x13a: {  	[tilespmem:s6], [sflag:$0x2] =	stream.indirect.gather [hbm4b:s3+s10], $0x40, s16, s10, $0xb8;
	[tilespmem:$0x4A00] =	vst v63  }
0x13b: {  	_ =	swait.ge [sflag:s11], $0x2000  }
0x13c: {  	[sflag:s11] =	ssyncset.done $0x0  }
0x13d: {  	s0 =	rddreg [dreg:$0x11];
	[sflag:s11] =	ssyncadd.s32 $0xFFFFE000  }
0x13e: {  	[hbm4b:s0+s2] =	stream.linear.scatter [tilespmem:s9], [sflag:$0x3], $0x2000, $0x38;
	[tilespmem:$0x4A00] =	vst v63  }
0x13f: {  	_ =	swait.ge [sflag:s4], $0x2000  }
0x140: {  	[sflag:s4] =	ssyncset.done $0x0  }
0x141: {  	[sflag:s4] =	ssyncadd.s32 $0xFFFFE000  }
0x142: {  	[tilespmem:s9], [sflag:$0x1] =	stream.indirect.gather [hbm4b:s3+s10], $0x40, s15, s10, $0xb8;
	[tilespmem:$0x4A00] =	vst v63  }
0x143: {  	_ =	swait.ge [sflag:s8], $0x2000  }
0x144: {  	[sflag:s8] =	ssyncset.done $0x0  }
0x145: {  	s0 =	rddreg [dreg:$0x12];
	[sflag:s8] =	ssyncadd.s32 $0xFFFFE000  }
0x146: {  	[hbm4b:s0+s2] =	stream.linear.scatter [tilespmem:s6], [sflag:$0x3], $0x2000, $0x38;
	[tilespmem:$0x4A00] =	vst v63  }
0x147: {  	_ =	swait.ge [sflag:s4], $0x2000  }
0x148: {  	[sflag:s4] =	ssyncset.done $0x0  }
0x149: {  	[sflag:s4] =	ssyncadd.s32 $0xFFFFE000  }
0x14a: {  	[tilespmem:s6], [sflag:$0x2] =	stream.indirect.gather [hbm4b:s3+s10], $0x40, s14, s10, $0xb8;
	[tilespmem:$0x4A00] =	vst v63  }
0x14b: {  	_ =	swait.ge [sflag:s11], $0x2000  }
0x14c: {  	[sflag:s11] =	ssyncset.done $0x0  }
0x14d: {  	s0 =	rddreg [dreg:$0x13];
	[sflag:s11] =	ssyncadd.s32 $0xFFFFE000  }
0x14e: {  	[hbm4b:s0+s2] =	stream.linear.scatter [tilespmem:s9], [sflag:$0x3], $0x2000, $0x38;
	[tilespmem:$0x4A00] =	vst v63  }
0x14f: {  	_ =	swait.ge [sflag:s4], $0x2000  }
0x150: {  	[sflag:s4] =	ssyncset.done $0x0  }
0x151: {  	[sflag:s4] =	ssyncadd.s32 $0xFFFFE000  }
0x152: {  	[tilespmem:s9], [sflag:$0x1] =	stream.indirect.gather [hbm4b:s3+s10], $0x40, s13, s10, $0xb8;
	[tilespmem:$0x4A00] =	vst v63  }
0x153: {  	_ =	swait.ge [sflag:s8], $0x2000  }
0x154: {  	[sflag:s8] =	ssyncset.done $0x0  }
0x155: {  	s0 =	rddreg [dreg:$0x14];
	[sflag:s8] =	ssyncadd.s32 $0xFFFFE000  }
0x156: {  	[hbm4b:s0+s2] =	stream.linear.scatter [tilespmem:s6], [sflag:$0x3], $0x2000, $0x38;
	[tilespmem:$0x4A00] =	vst v63  }
0x157: {  	_ =	swait.ge [sflag:s4], $0x2000  }
0x158: {  	[sflag:s4] =	ssyncset.done $0x0  }
0x159: {  	[sflag:s4] =	ssyncadd.s32 $0xFFFFE000  }
0x15a: {  	[tilespmem:s6], [sflag:$0x2] =	stream.indirect.gather [hbm4b:s3+s10], $0x40, s12, s10, $0xb8;
	[tilespmem:$0x4A00] =	vst v63  }
0x15b: {  	_ =	swait.ge [sflag:s11], $0x2000  }
0x15c: {  	[sflag:s11] =	ssyncset.done $0x0  }
0x15d: {  	[sflag:s11] =	ssyncadd.s32 $0xFFFFE000  }
0x15e: {  	[hbm4b:s7+s2] =	stream.linear.scatter [tilespmem:s9], [sflag:$0x3], $0x2000, $0x38;
	[tilespmem:$0x4A00] =	vst v63  }
0x15f: {  	_ =	swait.ge [sflag:s4], $0x2000  }
0x160: {  	[sflag:s4] =	ssyncset.done $0x0  }
0x161: {  	[sflag:s4] =	ssyncadd.s32 $0xFFFFE000  }
0x162: {  	p1 =	sne.s32 s1, $0x1;
	_ =	swait.ge [sflag:s8], $0x2000  }
.Ltmp2:
0x163: {  	[sflag:s8] =	ssyncset.done $0x0;
	(pc) =	sbr.rel @p1 .LBB2_2-.Ltmp2, $4  }
0x164: {  	[sflag:s8] =	ssyncadd.s32 $0xFFFFE000  }
0x165: {  	[hbm4b:s5+s2] =	stream.linear.scatter [tilespmem:s6], [sflag:$0x3], $0x2000, $0x38;
	[tilespmem:$0x4A00] =	vst v63  }
0x166: {  	_ =	swait.ge [sflag:s4], $0x2000  }
0x167: {  	s1 =	sadd.s32 $0xFFFFFFFF, s1;
	s0 =	rddreg [dreg:$0x3];
	[sflag:s4] =	ssyncset.done $0x0  }
.LBB2_3:
0x168: {  	[sflag:s4] =	ssyncadd.s32 @p0 $0xFFFFE000  }
0x169: {  	[tilespmem:s2], [sflag:$0x3] =	stream.linear.gather [hbm4b:s0+s2], $0xA00, $0x38;
	[tilespmem:$0x4A00] =	vst v63  }
0x16a: {  	_ =	swait.ge [sflag:s4], $0xA00  }
0x16b: {  	[sflag:s4] =	ssyncset.done $0x0  }
0x16c: {  	[sflag:s4] =	ssyncadd.s32 $0xFFFFF600  }
0x16d: {  	[tilespmem:s9], [sflag:$0x1] =	stream.indirect.gather [hbm4b:s3+s10], $0x40, s2, s10, $0xb8;
	[tilespmem:$0x4A00] =	vst v63  }
0x16e: {  	_ = 	snop  }
0x16f: {  	[tilespmem:s6], [sflag:$0x2] =	stream.indirect.gather [hbm4b:s3+s10], $0x40, s10, s10, $0xb8;
	[tilespmem:$0x4A00] =	vst v63  }
0x170: {  	_ =	swait.ge [sflag:s11], $0x2000  }
0x171: {  	[sflag:s11] =	ssyncset.done $0x0  }
0x172: {  	[sflag:s11] =	ssyncadd.s32 $0xFFFFE000  }
0x173: {  	[hbm4b:s23+s2] =	stream.linear.scatter [tilespmem:s9], [sflag:$0x3], $0x2000, $0x38;
	[tilespmem:$0x4A00] =	vst v63  }
0x174: {  	_ =	swait.ge [sflag:s4], $0x2000  }
0x175: {  	[sflag:s4] =	ssyncset.done $0x0  }
0x176: {  	[sflag:s4] =	ssyncadd.s32 $0xFFFFE000  }
0x177: {  	[tilespmem:s9], [sflag:$0x1] =	stream.indirect.gather [hbm4b:s3+s10], $0x40, s31, s10, $0xb8;
	[tilespmem:$0x4A00] =	vst v63  }
0x178: {  	_ =	swait.ge [sflag:s8], $0x2000  }
0x179: {  	[sflag:s8] =	ssyncset.done $0x0  }
0x17a: {  	s31 =	rddreg [dreg:$0x4];
	[sflag:s8] =	ssyncadd.s32 $0xFFFFE000  }
0x17b: {  	[hbm4b:s31+s2] =	stream.linear.scatter [tilespmem:s6], [sflag:$0x3], $0x2000, $0x38;
	[tilespmem:$0x4A00] =	vst v63  }
0x17c: {  	_ =	swait.ge [sflag:s4], $0x2000  }
0x17d: {  	[sflag:s4] =	ssyncset.done $0x0  }
0x17e: {  	[sflag:s4] =	ssyncadd.s32 $0xFFFFE000  }
0x17f: {  	[tilespmem:s6], [sflag:$0x2] =	stream.indirect.gather [hbm4b:s3+s10], $0x40, s30, s10, $0xb8;
	[tilespmem:$0x4A00] =	vst v63  }
0x180: {  	_ =	swait.ge [sflag:s11], $0x2000  }
0x181: {  	[sflag:s11] =	ssyncset.done $0x0  }
0x182: {  	s1 =	rddreg [dreg:$0x5];
	[sflag:s11] =	ssyncadd.s32 $0xFFFFE000  }
0x183: {  	[hbm4b:s1+s2] =	stream.linear.scatter [tilespmem:s9], [sflag:$0x3], $0x2000, $0x38;
	[tilespmem:$0x4A00] =	vst v63  }
0x184: {  	_ =	swait.ge [sflag:s4], $0x2000  }
0x185: {  	[sflag:s4] =	ssyncset.done $0x0  }
0x186: {  	[sflag:s4] =	ssyncadd.s32 $0xFFFFE000  }
0x187: {  	[tilespmem:s9], [sflag:$0x1] =	stream.indirect.gather [hbm4b:s3+s10], $0x40, s29, s10, $0xb8;
	[tilespmem:$0x4A00] =	vst v63  }
0x188: {  	_ =	swait.ge [sflag:s8], $0x2000  }
0x189: {  	[sflag:s8] =	ssyncset.done $0x0  }
0x18a: {  	s23 =	rddreg [dreg:$0x6];
	[sflag:s8] =	ssyncadd.s32 $0xFFFFE000  }
0x18b: {  	[hbm4b:s23+s2] =	stream.linear.scatter [tilespmem:s6], [sflag:$0x3], $0x2000, $0x38;
	[tilespmem:$0x4A00] =	vst v63  }
0x18c: {  	_ =	swait.ge [sflag:s4], $0x2000  }
0x18d: {  	[sflag:s4] =	ssyncset.done $0x0  }
0x18e: {  	[sflag:s4] =	ssyncadd.s32 $0xFFFFE000  }
0x18f: {  	[tilespmem:s6], [sflag:$0x2] =	stream.indirect.gather [hbm4b:s3+s10], $0x40, s28, s10, $0xb8;
	[tilespmem:$0x4A00] =	vst v63  }
0x190: {  	_ =	swait.ge [sflag:s11], $0x2000  }
0x191: {  	[sflag:s11] =	ssyncset.done $0x0  }
0x192: {  	s28 =	rddreg [dreg:$0x7];
	[sflag:s11] =	ssyncadd.s32 $0xFFFFE000  }
0x193: {  	[hbm4b:s28+s2] =	stream.linear.scatter [tilespmem:s9], [sflag:$0x3], $0x2000, $0x38;
	[tilespmem:$0x4A00] =	vst v63  }
0x194: {  	_ =	swait.ge [sflag:s4], $0x2000  }
0x195: {  	[sflag:s4] =	ssyncset.done $0x0  }
0x196: {  	[sflag:s4] =	ssyncadd.s32 $0xFFFFE000  }
0x197: {  	[tilespmem:s9], [sflag:$0x1] =	stream.indirect.gather [hbm4b:s3+s10], $0x40, s26, s10, $0xb8;
	[tilespmem:$0x4A00] =	vst v63  }
0x198: {  	_ =	swait.ge [sflag:s8], $0x2000  }
0x199: {  	[sflag:s8] =	ssyncset.done $0x0  }
0x19a: {  	s29 =	rddreg [dreg:$0x8];
	[sflag:s8] =	ssyncadd.s32 $0xFFFFE000  }
0x19b: {  	[hbm4b:s29+s2] =	stream.linear.scatter [tilespmem:s6], [sflag:$0x3], $0x2000, $0x38;
	[tilespmem:$0x4A00] =	vst v63  }
0x19c: {  	_ =	swait.ge [sflag:s4], $0x2000  }
0x19d: {  	[sflag:s4] =	ssyncset.done $0x0  }
0x19e: {  	[sflag:s4] =	ssyncadd.s32 $0xFFFFE000  }
0x19f: {  	[tilespmem:s6], [sflag:$0x2] =	stream.indirect.gather [hbm4b:s3+s10], $0x40, s25, s10, $0xb8;
	[tilespmem:$0x4A00] =	vst v63  }
0x1a0: {  	_ =	swait.ge [sflag:s11], $0x2000  }
0x1a1: {  	[sflag:s11] =	ssyncset.done $0x0  }
0x1a2: {  	s30 =	rddreg [dreg:$0x9];
	[sflag:s11] =	ssyncadd.s32 $0xFFFFE000  }
0x1a3: {  	[hbm4b:s30+s2] =	stream.linear.scatter [tilespmem:s9], [sflag:$0x3], $0x2000, $0x38;
	[tilespmem:$0x4A00] =	vst v63  }
0x1a4: {  	_ =	swait.ge [sflag:s4], $0x2000  }
0x1a5: {  	[sflag:s4] =	ssyncset.done $0x0  }
0x1a6: {  	[sflag:s4] =	ssyncadd.s32 $0xFFFFE000  }
0x1a7: {  	[tilespmem:s9], [sflag:$0x1] =	stream.indirect.gather [hbm4b:s3+s10], $0x40, s24, s10, $0xb8;
	[tilespmem:$0x4A00] =	vst v63  }
0x1a8: {  	_ =	swait.ge [sflag:s8], $0x2000  }
0x1a9: {  	[sflag:s8] =	ssyncset.done $0x0  }
0x1aa: {  	s31 =	rddreg [dreg:$0xa];
	[sflag:s8] =	ssyncadd.s32 $0xFFFFE000  }
0x1ab: {  	[hbm4b:s31+s2] =	stream.linear.scatter [tilespmem:s6], [sflag:$0x3], $0x2000, $0x38;
	[tilespmem:$0x4A00] =	vst v63  }
0x1ac: {  	_ =	swait.ge [sflag:s4], $0x2000  }
0x1ad: {  	[sflag:s4] =	ssyncset.done $0x0  }
0x1ae: {  	[sflag:s4] =	ssyncadd.s32 $0xFFFFE000  }
0x1af: {  	[tilespmem:s6], [sflag:$0x2] =	stream.indirect.gather [hbm4b:s3+s10], $0x40, s22, s10, $0xb8;
	[tilespmem:$0x4A00] =	vst v63  }
0x1b0: {  	_ =	swait.ge [sflag:s11], $0x2000  }
0x1b1: {  	[sflag:s11] =	ssyncset.done $0x0  }
0x1b2: {  	s1 =	rddreg [dreg:$0xb];
	[sflag:s11] =	ssyncadd.s32 $0xFFFFE000  }
0x1b3: {  	[hbm4b:s1+s2] =	stream.linear.scatter [tilespmem:s9], [sflag:$0x3], $0x2000, $0x38;
	[tilespmem:$0x4A00] =	vst v63  }
0x1b4: {  	_ =	swait.ge [sflag:s4], $0x2000  }
0x1b5: {  	[sflag:s4] =	ssyncset.done $0x0  }
0x1b6: {  	[sflag:s4] =	ssyncadd.s32 $0xFFFFE000  }
0x1b7: {  	[tilespmem:s9], [sflag:$0x1] =	stream.indirect.gather [hbm4b:s3+s10], $0x40, s21, s10, $0xb8;
	[tilespmem:$0x4A00] =	vst v63  }
0x1b8: {  	_ =	swait.ge [sflag:s8], $0x2000  }
0x1b9: {  	[sflag:s8] =	ssyncset.done $0x0  }
0x1ba: {  	s21 =	rddreg [dreg:$0xc];
	[sflag:s8] =	ssyncadd.s32 $0xFFFFE000  }
0x1bb: {  	[hbm4b:s21+s2] =	stream.linear.scatter [tilespmem:s6], [sflag:$0x3], $0x2000, $0x38;
	[tilespmem:$0x4A00] =	vst v63  }
0x1bc: {  	_ =	swait.ge [sflag:s4], $0x2000  }
0x1bd: {  	[sflag:s4] =	ssyncset.done $0x0  }
0x1be: {  	[sflag:s4] =	ssyncadd.s32 $0xFFFFE000  }
0x1bf: {  	[tilespmem:s6], [sflag:$0x2] =	stream.indirect.gather [hbm4b:s3+s10], $0x40, s20, s10, $0xb8;
	[tilespmem:$0x4A00] =	vst v63  }
0x1c0: {  	_ =	swait.ge [sflag:s11], $0x2000  }
0x1c1: {  	[sflag:s11] =	ssyncset.done $0x0  }
0x1c2: {  	s22 =	rddreg [dreg:$0xd];
	[sflag:s11] =	ssyncadd.s32 $0xFFFFE000  }
0x1c3: {  	[hbm4b:s22+s2] =	stream.linear.scatter [tilespmem:s9], [sflag:$0x3], $0x2000, $0x38;
	[tilespmem:$0x4A00] =	vst v63  }
0x1c4: {  	_ =	swait.ge [sflag:s4], $0x2000  }
0x1c5: {  	[sflag:s4] =	ssyncset.done $0x0  }
0x1c6: {  	[sflag:s4] =	ssyncadd.s32 $0xFFFFE000  }
0x1c7: {  	[tilespmem:s9], [sflag:$0x1] =	stream.indirect.gather [hbm4b:s3+s10], $0x40, s19, s10, $0xb8;
	[tilespmem:$0x4A00] =	vst v63  }
0x1c8: {  	_ =	swait.ge [sflag:s8], $0x2000  }
0x1c9: {  	[sflag:s8] =	ssyncset.done $0x0  }
0x1ca: {  	s23 =	rddreg [dreg:$0xe];
	[sflag:s8] =	ssyncadd.s32 $0xFFFFE000  }
0x1cb: {  	[hbm4b:s23+s2] =	stream.linear.scatter [tilespmem:s6], [sflag:$0x3], $0x2000, $0x38;
	[tilespmem:$0x4A00] =	vst v63  }
0x1cc: {  	_ =	swait.ge [sflag:s4], $0x2000  }
0x1cd: {  	[sflag:s4] =	ssyncset.done $0x0  }
0x1ce: {  	[sflag:s4] =	ssyncadd.s32 $0xFFFFE000  }
0x1cf: {  	[tilespmem:s6], [sflag:$0x2] =	stream.indirect.gather [hbm4b:s3+s10], $0x40, s18, s10, $0xb8;
	[tilespmem:$0x4A00] =	vst v63  }
0x1d0: {  	_ =	swait.ge [sflag:s11], $0x2000  }
0x1d1: {  	[sflag:s11] =	ssyncset.done $0x0  }
0x1d2: {  	s24 =	rddreg [dreg:$0xf];
	[sflag:s11] =	ssyncadd.s32 $0xFFFFE000  }
0x1d3: {  	[hbm4b:s24+s2] =	stream.linear.scatter [tilespmem:s9], [sflag:$0x3], $0x2000, $0x38;
	[tilespmem:$0x4A00] =	vst v63  }
0x1d4: {  	_ =	swait.ge [sflag:s4], $0x2000  }
0x1d5: {  	[sflag:s4] =	ssyncset.done $0x0  }
0x1d6: {  	[sflag:s4] =	ssyncadd.s32 $0xFFFFE000  }
0x1d7: {  	[tilespmem:s9], [sflag:$0x1] =	stream.indirect.gather [hbm4b:s3+s10], $0x40, s17, s10, $0xb8;
	[tilespmem:$0x4A00] =	vst v63  }
0x1d8: {  	_ =	swait.ge [sflag:s8], $0x2000  }
0x1d9: {  	[sflag:s8] =	ssyncset.done $0x0  }
0x1da: {  	s25 =	rddreg [dreg:$0x10];
	[sflag:s8] =	ssyncadd.s32 $0xFFFFE000  }
0x1db: {  	[hbm4b:s25+s2] =	stream.linear.scatter [tilespmem:s6], [sflag:$0x3], $0x2000, $0x38;
	[tilespmem:$0x4A00] =	vst v63  }
0x1dc: {  	_ =	swait.ge [sflag:s4], $0x2000  }
0x1dd: {  	[sflag:s4] =	ssyncset.done $0x0  }
0x1de: {  	[sflag:s4] =	ssyncadd.s32 $0xFFFFE000  }
0x1df: {  	[tilespmem:s6], [sflag:$0x2] =	stream.indirect.gather [hbm4b:s3+s10], $0x40, s16, s10, $0xb8;
	[tilespmem:$0x4A00] =	vst v63  }
0x1e0: {  	_ =	swait.ge [sflag:s11], $0x2000  }
0x1e1: {  	[sflag:s11] =	ssyncset.done $0x0  }
0x1e2: {  	s26 =	rddreg [dreg:$0x11];
	[sflag:s11] =	ssyncadd.s32 $0xFFFFE000  }
0x1e3: {  	[hbm4b:s26+s2] =	stream.linear.scatter [tilespmem:s9], [sflag:$0x3], $0x2000, $0x38;
	[tilespmem:$0x4A00] =	vst v63  }
0x1e4: {  	_ =	swait.ge [sflag:s4], $0x2000  }
0x1e5: {  	[sflag:s4] =	ssyncset.done $0x0  }
0x1e6: {  	[sflag:s4] =	ssyncadd.s32 $0xFFFFE000  }
0x1e7: {  	[tilespmem:s9], [sflag:$0x1] =	stream.indirect.gather [hbm4b:s3+s10], $0x40, s15, s10, $0xb8;
	[tilespmem:$0x4A00] =	vst v63  }
0x1e8: {  	_ =	swait.ge [sflag:s8], $0x2000  }
0x1e9: {  	[sflag:s8] =	ssyncset.done $0x0  }
0x1ea: {  	s28 =	rddreg [dreg:$0x12];
	[sflag:s8] =	ssyncadd.s32 $0xFFFFE000  }
0x1eb: {  	[hbm4b:s28+s2] =	stream.linear.scatter [tilespmem:s6], [sflag:$0x3], $0x2000, $0x38;
	[tilespmem:$0x4A00] =	vst v63  }
0x1ec: {  	_ =	swait.ge [sflag:s4], $0x2000  }
0x1ed: {  	[sflag:s4] =	ssyncset.done $0x0  }
0x1ee: {  	[sflag:s4] =	ssyncadd.s32 $0xFFFFE000  }
0x1ef: {  	[tilespmem:s6], [sflag:$0x2] =	stream.indirect.gather [hbm4b:s3+s10], $0x40, s14, s10, $0xb8;
	[tilespmem:$0x4A00] =	vst v63  }
0x1f0: {  	_ =	swait.ge [sflag:s11], $0x2000  }
0x1f1: {  	[sflag:s11] =	ssyncset.done $0x0  }
0x1f2: {  	s29 =	rddreg [dreg:$0x13];
	[sflag:s11] =	ssyncadd.s32 $0xFFFFE000  }
0x1f3: {  	[hbm4b:s29+s2] =	stream.linear.scatter [tilespmem:s9], [sflag:$0x3], $0x2000, $0x38;
	[tilespmem:$0x4A00] =	vst v63  }
0x1f4: {  	_ =	swait.ge [sflag:s4], $0x2000  }
0x1f5: {  	[sflag:s4] =	ssyncset.done $0x0  }
0x1f6: {  	[sflag:s4] =	ssyncadd.s32 $0xFFFFE000  }
0x1f7: {  	[tilespmem:s9], [sflag:$0x1] =	stream.indirect.gather [hbm4b:s3+s10], $0x40, s13, s10, $0xb8;
	[tilespmem:$0x4A00] =	vst v63  }
0x1f8: {  	_ =	swait.ge [sflag:s8], $0x2000  }
0x1f9: {  	[sflag:s8] =	ssyncset.done $0x0  }
0x1fa: {  	s30 =	rddreg [dreg:$0x14];
	[sflag:s8] =	ssyncadd.s32 $0xFFFFE000  }
0x1fb: {  	[hbm4b:s30+s2] =	stream.linear.scatter [tilespmem:s6], [sflag:$0x3], $0x2000, $0x38;
	[tilespmem:$0x4A00] =	vst v63  }
0x1fc: {  	_ =	swait.ge [sflag:s4], $0x2000  }
0x1fd: {  	[sflag:s4] =	ssyncset.done $0x0  }
0x1fe: {  	[sflag:s4] =	ssyncadd.s32 $0xFFFFE000  }
0x1ff: {  	[tilespmem:s6], [sflag:$0x2] =	stream.indirect.gather [hbm4b:s3+s10], $0x40, s12, s10, $0xb8;
	[tilespmem:$0x4A00] =	vst v63  }
0x200: {  	_ =	swait.ge [sflag:s11], $0x2000  }
0x201: {  	[sflag:s11] =	ssyncset.done $0x0  }
0x202: {  	[sflag:s11] =	ssyncadd.s32 $0xFFFFE000  }
0x203: {  	[hbm4b:s7+s2] =	stream.linear.scatter [tilespmem:s9], [sflag:$0x3], $0x2000, $0x38;
	[tilespmem:$0x4A00] =	vst v63  }
0x204: {  	_ =	swait.ge [sflag:s4], $0x2000  }
0x205: {  	[sflag:s4] =	ssyncset.done $0x0  }
0x206: {  	[sflag:s4] =	ssyncadd.s32 $0xFFFFE000  }
0x207: {  	_ =	swait.ge [sflag:s8], $0x2000  }
0x208: {  	[sflag:s8] =	ssyncset.done $0x0  }
0x209: {  	[sflag:s8] =	ssyncadd.s32 $0xFFFFE000  }
0x20a: {  	[hbm4b:s5+s2] =	stream.linear.scatter [tilespmem:s6], [sflag:$0x3], $0x2000, $0x38;
	[tilespmem:$0x4A00] =	vst v63  }
0x20b: {  	_ =	swait.ge [sflag:s4], $0x2000  }
0x20c: {  	[sflag:s4] =	ssyncset.done $0x0  }
0x20d: {  	[sflag:s4] =	ssyncadd.s32 $0xFFFFE000  }
0x20e: {  	_ =	sfence.sel $0x180000  }
0x20f: {  	[bflag:$0x0] =	sbarrier.arrive $0xFFFF  }
0x210: {  	_ =	strace $0x90000047  }
0x211: {  	s31 =	stileid.u32;
	[bflag:$0x2] =	sbarrier.arrive $0xFFFF  }
0x212: {  	p0 =	sne.s32 s31, $0x0;
	s0 =	rddreg [dreg:$0x2]  }
0x213: {  	s0 =	sadd.s32 @!p0 $0x100000, s0  }
0x214: {  	[sflag:s0] =	ssyncadd.tile.s32 @!p0 $0x1;
	_ =	shalt  }
.Lfunc_end2:
_tile_overlayer_lowered:
.L_overlay_start_2:
0x215: {  	(tag) =	ssettag $0x2  }
0x216: {  	s0 =	rddreg [dreg:$0x0];
	s2 =	stileid.u32  }
0x217: {  	s1 =	rddreg [dreg:$0x1];
	p0 =	sne.s32 s2, $0x0  }
0x218: {  	s3 =	rddreg [dreg:$0x2];
	[bflag:$0x3] =	sbarrier.arrive $0xFFFF;
	s2 =	simm.s32 @!p0 $0x1C03  }
0x219: {  	[timem:s3], [sflag:s2] =	dma.local @!p0 [hbm:s0], s1  }
0x21a: {  	s0 =	simm.s32 @!p0 $0x3  }
0x21b: {  	_ =	swait.ge @!p0 [sflag:s0], s1  }
0x21c: {  	s1 =	ssub.s32 @!p0 $0x0, s1;
	[sflag:s0] =	ssyncset.done @!p0 $0x0  }
0x21d: {  	[sflag:s0] =	ssyncadd.s32 @!p0 s1  }
0x21e: {  	[bflag:$0x3] =	sbarrier.arrive $0xFFFF  }
0x21f: {  	_ =	shalt  }

</sc_bundles>
